<compile_context>
chip_gen: v7x
topology: tpu7x:2x2x1
jax: 0.10.2.dev20260603
libtpu: 0.0.44.dev20260713+nightly
codegen_flags: <defaults>
</compile_context>

<pallas_src>
import functools

import jax
import jax.numpy as jnp
from jax import lax
from jax.experimental import pallas as pl
from jax.experimental.pallas import tpu as pltpu
from jax.experimental.pallas import tpu_sc as plsc

_B, _A, _M, _T, _C = 1024, 300, 6, 12, 10
_T2 = 2 * _T

_AGENT_THRESH = 0.5
_X_TH = 1.5
_Y_TH = 3.0
_DIS_TH_SQ = 9.0
_BIG = 1e6

_ROWS = _B * _A
_ROW_BLK = 2048
_NB = 8
_GATHER_W = 128


def _index_kernel(s_ref, f_ref, idx_ref, bad_ref, off_ref):
    s = s_ref[...]
    ms = jnp.max(s, axis=1, keepdims=True)
    ci = lax.broadcasted_iota(jnp.int32, s.shape, 1)
    mi = jnp.min(jnp.where(s == ms, ci, _C), axis=1, keepdims=True)
    bad = (ms < _AGENT_THRESH) | (mi > 4)

    f = f_ref[...]
    fi = lax.broadcasted_iota(jnp.int32, f.shape, 1)
    mf = jnp.max(f, axis=1, keepdims=True)
    best = jnp.min(jnp.where(f == mf, fi, _M), axis=1, keepdims=True)

    r = (pl.program_id(0) * _ROW_BLK
         + lax.broadcasted_iota(jnp.int32, (_ROW_BLK, 1), 0))
    k = r * _M + best
    s = (k * 3) // 2
    idx_ref[...] = jnp.concatenate([s, s + 1], axis=1)
    bad_ref[...] = jnp.where(bad, 1.0, 0.0)
    off_ref[...] = jnp.where(k % 2 == 1, 8.0, 0.0)


def _compute_indices(asp, afcp):
    asp2 = asp.reshape(_ROWS, _C)
    afcp2 = afcp.reshape(_ROWS, _M)
    grid = _ROWS // _ROW_BLK
    idx, badf, offf = pl.pallas_call(
        _index_kernel,
        grid=(grid,),
        in_specs=[
            pl.BlockSpec((_ROW_BLK, _C), lambda i: (i, 0)),
            pl.BlockSpec((_ROW_BLK, _M), lambda i: (i, 0)),
        ],
        out_specs=[
            pl.BlockSpec((_ROW_BLK, 2), lambda i: (i, 0)),
            pl.BlockSpec((_ROW_BLK, 1), lambda i: (i, 0)),
            pl.BlockSpec((_ROW_BLK, 1), lambda i: (i, 0)),
        ],
        out_shape=[
            jax.ShapeDtypeStruct((_ROWS, 2), jnp.int32),
            jax.ShapeDtypeStruct((_ROWS, 1), jnp.float32),
            jax.ShapeDtypeStruct((_ROWS, 1), jnp.float32),
        ],
    )(asp2, afcp2)
    return idx, badf, offf


_N16 = _ROWS * _M * _T2 // 16
_NIDX = 2 * _ROWS


def _sc_gather(afp_flat, idx):
    mesh = plsc.VectorSubcoreMesh(core_axis_name="core",
                                  subcore_axis_name="subcore")

    @pl.kernel(out_type=jax.ShapeDtypeStruct((_NIDX, 16), jnp.float32),
               mesh=mesh,
               compiler_params=pltpu.CompilerParams(use_tc_tiling_on_sc=False))
    def gather_kernel(x_hbm, i_hbm, o_hbm):
        def body(i_vmem, o_vmem):
            pltpu.sync_copy(x_hbm.at[i_vmem.at[0]], o_vmem)

        pltpu.emit_pipeline(
            body,
            grid=(_NIDX // _GATHER_W,),
            in_specs=[pl.BlockSpec((1, _GATHER_W), index_map=lambda i: (0, i))],
            out_specs=[pl.BlockSpec((_GATHER_W, 16),
                                    index_map=lambda i: (i, 0))],
            core_axis_name=("core", "subcore"),
            dimension_semantics=(pltpu.PARALLEL,),
        )(i_hbm, o_hbm)

    return gather_kernel(afp_flat, idx)


def _loss_kernel(g_ref, bad_ref, off_ref, ap_ref, ego_ref, out_ref):
    g32 = g_ref[...]
    off = off_ref[...]
    g = jnp.where(off > 4.0, g32[:, :, 8:8 + _T2], g32[:, :, 0:_T2])
    ap = ap_ref[...]
    ego = ego_ref[...]

    lane = lax.broadcasted_iota(jnp.int32, g.shape, 2)
    apx = ap[:, :, 0:1]
    apy = ap[:, :, 1:2]
    c = jnp.where(lane == 0, g + apx, jnp.where(lane == 1, g + apy, g))
    for s in (2, 4, 8, 16):
        c = c + jnp.where(lane >= s, jnp.roll(c, s, axis=2), 0.0)

    lane2 = lax.broadcasted_iota(jnp.int32, ego.shape, 1)
    p = ego
    for s in (2, 4, 8, 16):
        p = p + jnp.where(lane2 >= s, jnp.roll(p, s, axis=1), 0.0)
    pred = p[:, None, :]

    d = pred - c
    s2 = d * d
    pair = s2 + jnp.where(lane % 2 == 0,
                          jnp.roll(s2, -1, axis=2),
                          jnp.roll(s2, 1, axis=2))
    bad = bad_ref[...]
    far = (pair > _DIS_TH_SQ) | (bad > 0.5)
    tm = jnp.where(far, _BIG, c)
    ad = jnp.abs(pred - tm)
    m = jnp.min(ad, axis=1)

    th = jnp.where(lane2 % 2 == 0, _X_TH, _Y_TH)
    contrib = jnp.where(m > th, 0.0, th - m)
    val = jnp.sum(contrib, keepdims=True) * (1.0 / (_B * _T2))

    @pl.when(pl.program_id(0) == 0)
    def _():
        out_ref[...] = jnp.zeros_like(out_ref)

    out_ref[...] += val


def _compute_loss(gathered, badf, offf, ap, ego):
    g3 = gathered.reshape(_B, _A, 32)
    bad3 = badf.reshape(_B, _A, 1)
    off3 = offf.reshape(_B, _A, 1)
    ego2 = ego.reshape(_B, _T2)
    grid = _B // _NB
    out = pl.pallas_call(
        _loss_kernel,
        grid=(grid,),
        in_specs=[
            pl.BlockSpec((_NB, _A, 32), lambda i: (i, 0, 0)),
            pl.BlockSpec((_NB, _A, 1), lambda i: (i, 0, 0)),
            pl.BlockSpec((_NB, _A, 1), lambda i: (i, 0, 0)),
            pl.BlockSpec((_NB, _A, 2), lambda i: (i, 0, 0)),
            pl.BlockSpec((_NB, _T2), lambda i: (i, 0)),
        ],
        out_specs=pl.BlockSpec((1, 1), lambda i: (0, 0)),
        out_shape=jax.ShapeDtypeStruct((1, 1), jnp.float32),
    )(g3, bad3, off3, ap, ego2)
    return out.reshape(())


def kernel(ego_fut_preds, agent_preds, agent_fut_preds, agent_score_preds,
           agent_fut_cls_preds):
    idx, badf, offf = _compute_indices(agent_score_preds, agent_fut_cls_preds)
    afp_flat = agent_fut_preds.reshape(_N16, 16)
    gathered = _sc_gather(afp_flat, idx.reshape(1, _NIDX))
    return _compute_loss(gathered, badf, offf, agent_preds, ego_fut_preds)

# --- scband reference (transcript-rebuilt; emitter-appended) ---
"""Pipeline reference for scband-plan-collision-loss-14465449853369 (READ-ONLY COPY).

The authoritative reference and input builder live on the scoring server;
editing this copy changes nothing except your own understanding.
"""

import jax, jax.numpy as jnp
import numpy as np

B, A, M, T, C = 1024, 300, 6, 12, 10

def setup_inputs(seed: int = 0):
    key = jax.random.key(seed)
    k1, k2, k3, k4, k5 = jax.random.split(key, 5)
    return {
        "ego_fut_preds": jax.random.normal(k1, (B, T, 2), dtype=jnp.float32),
        "agent_preds": jax.random.normal(k2, (B, A, 2), dtype=jnp.float32),
        "agent_fut_preds": jax.random.normal(k3, (B, A, M, T, 2), dtype=jnp.float32),
        "agent_score_preds": jax.random.uniform(k4, (B, A, C), dtype=jnp.float32),
        "agent_fut_cls_preds": jax.random.normal(k5, (B, A, M), dtype=jnp.float32),
    }

def _forward(ego, ap, afp, asp, afcp):
    agent_thresh = 0.5; x_th = 1.5; y_th = 3.0; dis_th = 3.0; loss_weight = 1.0
    # mask out low-score and non-vehicle agents
    max_score = jnp.max(asp, axis=-1)              # [B, A]
    max_idx = jnp.argmax(asp, axis=-1)             # [B, A]
    bad = (max_score < agent_thresh) | (max_idx > 4)
    afp = jnp.where(bad[:, :, None, None, None], 1e6, afp)
    # pick best future mode per agent
    best = jnp.argmax(afcp, axis=-1)               # [B, A]
    afp = jnp.take_along_axis(afp, best[:, :, None, None, None], axis=2)[:, :, 0]  # [B, A, T, 2]
    # plan_col_loss
    pred = jnp.cumsum(ego, axis=-2)                # [B, T, 2]
    afp = jnp.cumsum(afp, axis=-2)                 # [B, A, T, 2]
    target = ap[:, :, None, :] + afp               # [B, A, T, 2]
    dist = jnp.linalg.norm(pred[:, None, :, :] - target, axis=-1)  # [B, A, T]
    target = jnp.where((dist > dis_th)[..., None], 1e6, target)
    x_dist = jnp.abs(pred[:, None, :, 0] - target[..., 0])  # [B, A, T]
    y_dist = jnp.abs(pred[:, None, :, 1] - target[..., 1])  # [B, A, T]
    xi = jnp.argmin(x_dist, axis=1)                # [B, T]
    yi = jnp.argmin(y_dist, axis=1)                # [B, T]
    xm = jnp.take_along_axis(x_dist, xi[:, None, :], axis=1)[:, 0]  # [B, T]
    ym = jnp.take_along_axis(y_dist, yi[:, None, :], axis=1)[:, 0]  # [B, T]
    xl = jnp.where(xm > x_th, 0.0, x_th - xm)
    yl = jnp.where(ym > y_th, 0.0, y_th - ym)
    loss = jnp.stack([xl, yl], axis=-1)            # [B, T, 2]
    return loss_weight * jnp.mean(loss)

def reference(ego_fut_preds, agent_preds, agent_fut_preds, agent_score_preds, agent_fut_cls_preds):
    return _forward(ego_fut_preds, agent_preds, agent_fut_preds, agent_score_preds, agent_fut_cls_preds)

if __name__ == "__main__":
    import jax
    _d = setup_inputs()
    print(jax.jit(kernel)(*tuple(_d.values())))

</pallas_src>

<mosaic_0001>
#map = affine_map<(d0, d1) -> (0, 0)>
module attributes {stable_mosaic.version = 14 : i64} {
  func.func @gather_kernel(%arg0: i32, %arg1: i32, %arg2: memref<2764800x16xf32, #tpu.memory_space<hbm>>, %arg3: memref<1x614400xi32, #tpu.memory_space<hbm>>, %arg4: memref<614400x16xf32, #tpu.memory_space<hbm>>) attributes {dimension_semantics = [#tpu.dimension_semantics<core_parallel>, #tpu.dimension_semantics<subcore_parallel>], iteration_bounds = array<i64: 2, 16>, scalar_prefetch = 0 : i64, scratch_operands = 0 : i64, tpu.core_type = #tpu.core_type<sc_vector_subcore>, window_params = [{transform_indices = #map}, {transform_indices = #map}, {transform_indices = #map}]} {
    %mul3A = arith.constant 1 : i32
    %mul3A_0 = arith.muli %arg1, %mul3A : i32
    %add3A = arith.constant 0 : i32
    %add3A_1 = arith.addi %add3A, %mul3A_0 : i32
    %mul3A_2 = arith.constant 16 : i32
    %mul3A_3 = arith.muli %arg0, %mul3A_2 : i32
    %add3A_4 = arith.addi %add3A_1, %mul3A_3 : i32
    %mul3A_5 = arith.constant 150 : i32
    %mul3A_6 = arith.muli %add3A_4, %mul3A_5 : i32
    "tpu.region"() ({
      %run_scoped3A = memref.alloca() : memref<2x1x128xi32, #tpu.memory_space<vmem>>
      %run_scoped3A_7 = tpu.sem_alloc : memref<2x!tpu.dma_semaphore, #tpu.memory_space<semaphore_mem>>
      %run_scoped3A_8 = memref.alloca() : memref<2x128x16xf32, #tpu.memory_space<vmem>>
      %run_scoped3A_9 = tpu.sem_alloc : memref<2x!tpu.dma_semaphore, #tpu.memory_space<semaphore_mem>>
      %add3A_10 = arith.constant 0 : i32
      %add3A_11 = arith.addi %add3A_10, %mul3A_6 : i32
      %select_n3A = arith.constant true
      %select_n3A_12 = arith.constant 0 : i32
      %select_n3A_13 = arith.constant -1 : i32
      %select_n3A_14 = arith.select %select_n3A, %select_n3A_13, %select_n3A_12 : i32
      %eq3A = arith.constant -1 : i32
      %eq3A_15 = arith.cmpi eq, %select_n3A_14, %eq3A : i32
      %select_n3A_16 = arith.constant 149 : i32
      %select_n3A_17 = arith.select %eq3A_15, %select_n3A_16, %select_n3A_14 : i32
      %add3A_18 = arith.addi %select_n3A_17, %mul3A_6 : i32
      %select_n3A_19 = arith.constant true
      %select_n3A_20 = arith.constant 0 : i32
      %select_n3A_21 = arith.constant 1 : i32
      %select_n3A_22 = arith.select %select_n3A_19, %select_n3A_21, %select_n3A_20 : i32
      %eq3A_23 = arith.constant 150 : i32
      %eq3A_24 = arith.cmpi eq, %select_n3A_22, %eq3A_23 : i32
      %select_n3A_25 = arith.constant 0 : i32
      %select_n3A_26 = arith.select %eq3A_24, %select_n3A_25, %select_n3A_22 : i32
      %add3A_27 = arith.addi %select_n3A_26, %mul3A_6 : i32
      %add3A_28 = arith.constant 1 : i32
      %add3A_29 = arith.addi %select_n3A_26, %add3A_28 : i32
      %select_n3A_30 = arith.constant true
      %select_n3A_31 = arith.select %select_n3A_30, %add3A_29, %select_n3A_26 : i32
      %eq3A_32 = arith.constant 150 : i32
      %eq3A_33 = arith.cmpi eq, %select_n3A_31, %eq3A_32 : i32
      %select_n3A_34 = arith.constant 0 : i32
      %select_n3A_35 = arith.select %eq3A_33, %select_n3A_34, %select_n3A_31 : i32
      %add3A_36 = arith.addi %select_n3A_35, %mul3A_6 : i32
      "tpu.trace_start"() <{level = 10 : i32, message = "ep_initialize_0"}> : () -> ()
      %rem3A = arith.constant 0 : i32
      %rem3A_37 = arith.constant 2 : i32
      %rem3A_38 = arith.remui %rem3A, %rem3A_37 : i32
      %mul3A_39 = arith.constant 128 : i32
      %mul3A_40 = arith.muli %mul3A_39, %add3A_11 : i32
      %dma_start3A = arith.constant 0 : i32
      %dma_start3A_41 = arith.constant 0 : i32
      %dma_start3A_42 = tpu.memref_slice %run_scoped3A[%rem3A_38, %dma_start3A, %dma_start3A_41] : memref<2x1x128xi32, #tpu.memory_space<vmem>> -> memref<1x1x128xi32, #tpu.memory_space<vmem>>
      %dma_start3A_43 = tpu.memref_squeeze %dma_start3A_42 : memref<1x1x128xi32, #tpu.memory_space<vmem>> -> memref<1x128xi32, #tpu.memory_space<vmem>>
      %dma_start3A_44 = arith.constant 0 : i32
      %dma_start3A_45 = tpu.memref_slice %arg3[%dma_start3A_44, %mul3A_40] : memref<1x614400xi32, #tpu.memory_space<hbm>> -> memref<1x128xi32, #tpu.memory_space<hbm>>
      %dma_start3A_46 = tpu.memref_slice %run_scoped3A_7[%rem3A_38] : memref<2x!tpu.dma_semaphore, #tpu.memory_space<semaphore_mem>> -> memref<1x!tpu.dma_semaphore, #tpu.memory_space<semaphore_mem>>
      %dma_start3A_47 = tpu.memref_squeeze %dma_start3A_46 : memref<1x!tpu.dma_semaphore, #tpu.memory_space<semaphore_mem>> -> memref<!tpu.dma_semaphore, #tpu.memory_space<semaphore_mem>>
      %dma_start3A_48 = arith.constant 0 : i32
      %dma_start3A_49 = arith.constant 0 : i32
      %dma_start3A_50 = tpu.memref_slice %run_scoped3A[%rem3A_38, %dma_start3A_48, %dma_start3A_49] : memref<2x1x128xi32, #tpu.memory_space<vmem>> -> memref<1x1x128xi32, #tpu.memory_space<vmem>>
      %dma_start3A_51 = tpu.memref_squeeze %dma_start3A_50 : memref<1x1x128xi32, #tpu.memory_space<vmem>> -> memref<1x128xi32, #tpu.memory_space<vmem>>
      %dma_start3A_52 = arith.constant 0 : i32
      %dma_start3A_53 = tpu.memref_slice %arg3[%dma_start3A_52, %mul3A_40] : memref<1x614400xi32, #tpu.memory_space<hbm>> -> memref<1x128xi32, #tpu.memory_space<hbm>>
      tpu.enqueue_dma source(%dma_start3A_53 : memref<1x128xi32, #tpu.memory_space<hbm>>) target(%dma_start3A_51 : memref<1x128xi32, #tpu.memory_space<vmem>>) target_semaphore(%dma_start3A_47 : memref<!tpu.dma_semaphore, #tpu.memory_space<semaphore_mem>>)
      %add3A_54 = arith.constant 0 : i32
      %add3A_55 = arith.constant 1 : i32
      %add3A_56 = arith.addi %add3A_54, %add3A_55 : i32
      %select_n3A_57 = arith.constant true
      %select_n3A_58 = arith.constant 0 : i32
      %select_n3A_59 = arith.select %select_n3A_57, %add3A_56, %select_n3A_58 : i32
      "tpu.trace_stop"() : () -> ()
      %scan3A = arith.constant 0 : i32
      %scan3A_60 = arith.constant 0 : i32
      %scan3A_61 = arith.constant 0 : i32
      %scan3A_62 = arith.constant 0 : i32
      %scan3A_63 = arith.constant 0 : i32
      %scan3A_64 = arith.constant 150 : i32
      %scan3A_65 = arith.addi %scan3A_63, %scan3A_64 : i32
      %scan3A_66 = arith.constant 1 : i32
      %scan3A_67:5 = scf.for %scan3A_121 = %scan3A_63 to %scan3A_65 step %scan3A_66 iter_args(%scan3A_122 = %select_n3A_59, %scan3A_123 = %scan3A, %scan3A_124 = %scan3A_60, %scan3A_125 = %scan3A_61, %scan3A_126 = %scan3A_62) -> (i32, i32, i32, i32, i32)  : i32 {
        %eq3A_127 = arith.constant 0 : i32
        %eq3A_128 = arith.cmpi eq, %scan3A_121, %eq3A_127 : i32
        %eq3A_129 = arith.constant 149 : i32
        %eq3A_130 = arith.cmpi eq, %scan3A_121, %eq3A_129 : i32
        %add3A_131 = arith.addi %scan3A_126, %mul3A_6 : i32
        %sub3A_132 = arith.constant 1 : i32
        %sub3A_133 = arith.subi %scan3A_126, %sub3A_132 : i32
        %select_n3A_134 = arith.constant true
        %select_n3A_135 = arith.select %select_n3A_134, %sub3A_133, %scan3A_126 : i32
        %eq3A_136 = arith.constant -1 : i32
        %eq3A_137 = arith.cmpi eq, %select_n3A_135, %eq3A_136 : i32
        %select_n3A_138 = arith.constant 149 : i32
        %select_n3A_139 = arith.select %eq3A_137, %select_n3A_138, %select_n3A_135 : i32
        %add3A_140 = arith.addi %select_n3A_139, %mul3A_6 : i32
        %add3A_141 = arith.constant 1 : i32
        %add3A_142 = arith.addi %scan3A_126, %add3A_141 : i32
        %select_n3A_143 = arith.constant true
        %select_n3A_144 = arith.select %select_n3A_143, %add3A_142, %scan3A_126 : i32
        %eq3A_145 = arith.constant 150 : i32
        %eq3A_146 = arith.cmpi eq, %select_n3A_144, %eq3A_145 : i32
        %select_n3A_147 = arith.constant 0 : i32
        %select_n3A_148 = arith.select %eq3A_146, %select_n3A_147, %select_n3A_144 : i32
        %add3A_149 = arith.addi %select_n3A_148, %mul3A_6 : i32
        %add3A_150 = arith.constant 1 : i32
        %add3A_151 = arith.addi %select_n3A_148, %add3A_150 : i32
        %select_n3A_152 = arith.constant true
        %select_n3A_153 = arith.select %select_n3A_152, %add3A_151, %select_n3A_148 : i32
        %eq3A_154 = arith.constant 150 : i32
        %eq3A_155 = arith.cmpi eq, %select_n3A_153, %eq3A_154 : i32
        %select_n3A_156 = arith.constant 0 : i32
        %select_n3A_157 = arith.select %eq3A_155, %select_n3A_156, %select_n3A_153 : i32
        %add3A_158 = arith.addi %select_n3A_157, %mul3A_6 : i32
        %ne3A = arith.cmpi ne, %add3A_131, %add3A_149 : i32
        %or3A = arith.constant false
        %or3A_159 = arith.ori %or3A, %ne3A : i1
        %ge3A = arith.constant 149 : i32
        %ge3A_160 = arith.cmpi sge, %scan3A_121, %ge3A : i32
        %not3A = arith.constant true
        %not3A_161 = arith.xori %ge3A_160, %not3A : i1
        %and3A = arith.andi %or3A_159, %not3A_161 : i1
        %convert_element_type3A = arith.extui %and3A : i1 to i32
        %cond3A = arith.constant 0 : i32
        %cond3A_162 = arith.cmpi ne, %convert_element_type3A, %cond3A : i32
        scf.if %cond3A_162 {
          "tpu.trace_start"() <{level = 10 : i32, message = "ep_copy_in"}> : () -> ()
          %rem3A_264 = arith.constant 2 : i32
          %rem3A_265 = arith.remui %scan3A_122, %rem3A_264 : i32
          %mul3A_266 = arith.constant 128 : i32
          %mul3A_267 = arith.muli %mul3A_266, %add3A_149 : i32
          %dma_start3A_268 = arith.constant 0 : i32
          %dma_start3A_269 = arith.constant 0 : i32
          %dma_start3A_270 = tpu.memref_slice %run_scoped3A[%rem3A_265, %dma_start3A_268, %dma_start3A_269] : memref<2x1x128xi32, #tpu.memory_space<vmem>> -> memref<1x1x128xi32, #tpu.memory_space<vmem>>
          %dma_start3A_271 = tpu.memref_squeeze %dma_start3A_270 : memref<1x1x128xi32, #tpu.memory_space<vmem>> -> memref<1x128xi32, #tpu.memory_space<vmem>>
          %dma_start3A_272 = arith.constant 0 : i32
          %dma_start3A_273 = tpu.memref_slice %arg3[%dma_start3A_272, %mul3A_267] : memref<1x614400xi32, #tpu.memory_space<hbm>> -> memref<1x128xi32, #tpu.memory_space<hbm>>
          %dma_start3A_274 = tpu.memref_slice %run_scoped3A_7[%rem3A_265] : memref<2x!tpu.dma_semaphore, #tpu.memory_space<semaphore_mem>> -> memref<1x!tpu.dma_semaphore, #tpu.memory_space<semaphore_mem>>
          %dma_start3A_275 = tpu.memref_squeeze %dma_start3A_274 : memref<1x!tpu.dma_semaphore, #tpu.memory_space<semaphore_mem>> -> memref<!tpu.dma_semaphore, #tpu.memory_space<semaphore_mem>>
          %dma_start3A_276 = arith.constant 0 : i32
          %dma_start3A_277 = arith.constant 0 : i32
          %dma_start3A_278 = tpu.memref_slice %run_scoped3A[%rem3A_265, %dma_start3A_276, %dma_start3A_277] : memref<2x1x128xi32, #tpu.memory_space<vmem>> -> memref<1x1x128xi32, #tpu.memory_space<vmem>>
          %dma_start3A_279 = tpu.memref_squeeze %dma_start3A_278 : memref<1x1x128xi32, #tpu.memory_space<vmem>> -> memref<1x128xi32, #tpu.memory_space<vmem>>
          %dma_start3A_280 = arith.constant 0 : i32
          %dma_start3A_281 = tpu.memref_slice %arg3[%dma_start3A_280, %mul3A_267] : memref<1x614400xi32, #tpu.memory_space<hbm>> -> memref<1x128xi32, #tpu.memory_space<hbm>>
          tpu.enqueue_dma source(%dma_start3A_281 : memref<1x128xi32, #tpu.memory_space<hbm>>) target(%dma_start3A_279 : memref<1x128xi32, #tpu.memory_space<vmem>>) target_semaphore(%dma_start3A_275 : memref<!tpu.dma_semaphore, #tpu.memory_space<semaphore_mem>>)
          "tpu.trace_stop"() : () -> ()
        } else {
        }
        %and3A_163 = arith.constant true
        %and3A_164 = arith.andi %and3A, %and3A_163 : i1
        %add3A_165 = arith.constant 1 : i32
        %add3A_166 = arith.addi %scan3A_122, %add3A_165 : i32
        %select_n3A_167 = arith.select %and3A_164, %add3A_166, %scan3A_122 : i32
        %ne3A_168 = arith.cmpi ne, %add3A_131, %add3A_149 : i32
        %or3A_169 = arith.constant false
        %or3A_170 = arith.ori %or3A_169, %ne3A_168 : i1
        %or3A_171 = arith.constant false
        %or3A_172 = arith.ori %or3A_170, %or3A_171 : i1
        %ge3A_173 = arith.constant 149 : i32
        %ge3A_174 = arith.cmpi sge, %scan3A_121, %ge3A_173 : i32
        %not3A_175 = arith.constant true
        %not3A_176 = arith.xori %ge3A_174, %not3A_175 : i1
        %and3A_177 = arith.andi %or3A_172, %not3A_176 : i1
        %ne3A_178 = arith.cmpi ne, %add3A_131, %add3A_140 : i32
        %or3A_179 = arith.constant false
        %or3A_180 = arith.ori %or3A_179, %ne3A_178 : i1
        %or3A_181 = arith.ori %or3A_180, %eq3A_128 : i1
        %convert_element_type3A_182 = arith.extui %or3A_181 : i1 to i32
        %cond3A_183 = arith.constant 0 : i32
        %cond3A_184 = arith.cmpi ne, %convert_element_type3A_182, %cond3A_183 : i32
        scf.if %cond3A_184 {
          "tpu.trace_start"() <{level = 10 : i32, message = "ep_wait_in"}> : () -> ()
          %mul3A_264 = arith.constant 128 : i32
          %mul3A_265 = arith.muli %mul3A_264, %add3A_131 : i32
          %rem3A_266 = arith.constant 2 : i32
          %rem3A_267 = arith.remui %scan3A_123, %rem3A_266 : i32
          %dma_wait3A_268 = arith.constant 0 : i32
          %dma_wait3A_269 = arith.constant 0 : i32
          %dma_wait3A_270 = tpu.memref_slice %run_scoped3A[%rem3A_267, %dma_wait3A_268, %dma_wait3A_269] : memref<2x1x128xi32, #tpu.memory_space<vmem>> -> memref<1x1x128xi32, #tpu.memory_space<vmem>>
          %dma_wait3A_271 = tpu.memref_squeeze %dma_wait3A_270 : memref<1x1x128xi32, #tpu.memory_space<vmem>> -> memref<1x128xi32, #tpu.memory_space<vmem>>
          %dma_wait3A_272 = arith.constant 0 : i32
          %dma_wait3A_273 = tpu.memref_slice %arg3[%dma_wait3A_272, %mul3A_265] : memref<1x614400xi32, #tpu.memory_space<hbm>> -> memref<1x128xi32, #tpu.memory_space<hbm>>
          %dma_wait3A_274 = tpu.memref_slice %run_scoped3A_7[%rem3A_267] : memref<2x!tpu.dma_semaphore, #tpu.memory_space<semaphore_mem>> -> memref<1x!tpu.dma_semaphore, #tpu.memory_space<semaphore_mem>>
          %dma_wait3A_275 = tpu.memref_squeeze %dma_wait3A_274 : memref<1x!tpu.dma_semaphore, #tpu.memory_space<semaphore_mem>> -> memref<!tpu.dma_semaphore, #tpu.memory_space<semaphore_mem>>
          %dma_wait3A_276 = arith.constant 0 : i32
          %dma_wait3A_277 = arith.constant 0 : i32
          %dma_wait3A_278 = tpu.memref_slice %run_scoped3A[%rem3A_267, %dma_wait3A_276, %dma_wait3A_277] : memref<2x1x128xi32, #tpu.memory_space<vmem>> -> memref<1x1x128xi32, #tpu.memory_space<vmem>>
          %dma_wait3A_279 = tpu.memref_squeeze %dma_wait3A_278 : memref<1x1x128xi32, #tpu.memory_space<vmem>> -> memref<1x128xi32, #tpu.memory_space<vmem>>
          %dma_wait3A_280 = arith.constant 0 : i32
          %dma_wait3A_281 = tpu.memref_slice %arg3[%dma_wait3A_280, %mul3A_265] : memref<1x614400xi32, #tpu.memory_space<hbm>> -> memref<1x128xi32, #tpu.memory_space<hbm>>
          tpu.wait_dma2 semaphore(%dma_wait3A_275 : memref<!tpu.dma_semaphore, #tpu.memory_space<semaphore_mem>>) src(%dma_wait3A_281 : memref<1x128xi32, #tpu.memory_space<hbm>>) dst(%dma_wait3A_279 : memref<1x128xi32, #tpu.memory_space<vmem>>)
          "tpu.trace_stop"() : () -> ()
        } else {
        }
        %ne3A_185 = arith.cmpi ne, %add3A_131, %add3A_140 : i32
        %or3A_186 = arith.constant false
        %or3A_187 = arith.ori %or3A_186, %ne3A_185 : i1
        %or3A_188 = arith.constant false
        %or3A_189 = arith.ori %or3A_187, %or3A_188 : i1
        %or3A_190 = arith.ori %or3A_189, %eq3A_128 : i1
        %convert_element_type3A_191 = arith.extui %or3A_190 : i1 to i32
        %cond3A_192 = arith.constant 0 : i32
        %cond3A_193 = arith.cmpi ne, %convert_element_type3A_191, %cond3A_192 : i32
        scf.if %cond3A_193 {
        } else {
        }
        %rem3A_194 = arith.constant 2 : i32
        %rem3A_195 = arith.remui %scan3A_123, %rem3A_194 : i32
        %rem3A_196 = arith.constant 2 : i32
        %rem3A_197 = arith.remui %scan3A_124, %rem3A_196 : i32
        %run_scoped3A_198 = arith.constant 0 : i32
        "tpu.trace_start"() <{level = 10 : i32, message = "ep_run_kernel"}> : () -> ()
        "tpu.region"() ({
          %run_scoped3A_264 = tpu.sem_alloc : memref<!tpu.dma_semaphore, #tpu.memory_space<semaphore_mem>>
          %dma_start3A_265 = arith.constant 0 : i32
          %dma_start3A_266 = arith.constant 0 : i32
          %dma_start3A_267 = tpu.memref_slice %run_scoped3A_8[%rem3A_197, %dma_start3A_265, %dma_start3A_266] : memref<2x128x16xf32, #tpu.memory_space<vmem>> -> memref<1x128x16xf32, #tpu.memory_space<vmem>>
          %dma_start3A_268 = tpu.memref_squeeze %dma_start3A_267 : memref<1x128x16xf32, #tpu.memory_space<vmem>> -> memref<128x16xf32, #tpu.memory_space<vmem>>
          %dma_start3A_269 = arith.constant 0 : i32
          %dma_start3A_270 = arith.constant 0 : i32
          %dma_start3A_271 = tpu.memref_slice %run_scoped3A[%rem3A_195, %dma_start3A_269, %dma_start3A_270] : memref<2x1x128xi32, #tpu.memory_space<vmem>> -> memref<1x1x128xi32, #tpu.memory_space<vmem>>
          %dma_start3A_272 = tpu.memref_squeeze %dma_start3A_271 : memref<1x1x128xi32, #tpu.memory_space<vmem>> -> memref<1x128xi32, #tpu.memory_space<vmem>>
          %dma_start3A_273 = arith.constant 0 : i32
          %dma_start3A_274 = tpu.memref_slice %dma_start3A_272[%run_scoped3A_198, %dma_start3A_273] : memref<1x128xi32, #tpu.memory_space<vmem>> -> memref<1x128xi32, #tpu.memory_space<vmem>>
          %dma_start3A_275 = tpu.memref_squeeze %dma_start3A_274 : memref<1x128xi32, #tpu.memory_space<vmem>> -> memref<128xi32, #tpu.memory_space<vmem>>
          %dma_start3A_276 = arith.constant 0 : i32
          %dma_start3A_277 = arith.constant 0 : i32
          %dma_start3A_278 = tpu.memref_slice %arg2[%dma_start3A_276, %dma_start3A_277] : memref<2764800x16xf32, #tpu.memory_space<hbm>> -> memref<2764800x16xf32, #tpu.memory_space<hbm>>
          tpu.enqueue_indirect_dma source(%dma_start3A_278 : memref<2764800x16xf32, #tpu.memory_space<hbm>>) target(%dma_start3A_268 : memref<128x16xf32, #tpu.memory_space<vmem>>) offsets(%dma_start3A_275 : memref<128xi32, #tpu.memory_space<vmem>>) semaphore(%run_scoped3A_264 : memref<!tpu.dma_semaphore, #tpu.memory_space<semaphore_mem>>)
          %dma_wait3A_279 = arith.constant 0 : i32
          %dma_wait3A_280 = arith.constant 0 : i32
          %dma_wait3A_281 = tpu.memref_slice %run_scoped3A_8[%rem3A_197, %dma_wait3A_279, %dma_wait3A_280] : memref<2x128x16xf32, #tpu.memory_space<vmem>> -> memref<1x128x16xf32, #tpu.memory_space<vmem>>
          %dma_wait3A_282 = tpu.memref_squeeze %dma_wait3A_281 : memref<1x128x16xf32, #tpu.memory_space<vmem>> -> memref<128x16xf32, #tpu.memory_space<vmem>>
          %dma_wait3A_283 = arith.constant 0 : i32
          %dma_wait3A_284 = arith.constant 0 : i32
          %dma_wait3A_285 = tpu.memref_slice %run_scoped3A[%rem3A_195, %dma_wait3A_283, %dma_wait3A_284] : memref<2x1x128xi32, #tpu.memory_space<vmem>> -> memref<1x1x128xi32, #tpu.memory_space<vmem>>
          %dma_wait3A_286 = tpu.memref_squeeze %dma_wait3A_285 : memref<1x1x128xi32, #tpu.memory_space<vmem>> -> memref<1x128xi32, #tpu.memory_space<vmem>>
          %dma_wait3A_287 = arith.constant 0 : i32
          %dma_wait3A_288 = tpu.memref_slice %dma_wait3A_286[%run_scoped3A_198, %dma_wait3A_287] : memref<1x128xi32, #tpu.memory_space<vmem>> -> memref<1x128xi32, #tpu.memory_space<vmem>>
          %dma_wait3A_289 = tpu.memref_squeeze %dma_wait3A_288 : memref<1x128xi32, #tpu.memory_space<vmem>> -> memref<128xi32, #tpu.memory_space<vmem>>
          %dma_wait3A_290 = arith.constant 0 : i32
          %dma_wait3A_291 = arith.constant 0 : i32
          %dma_wait3A_292 = tpu.memref_slice %arg2[%dma_wait3A_290, %dma_wait3A_291] : memref<2764800x16xf32, #tpu.memory_space<hbm>> -> memref<2764800x16xf32, #tpu.memory_space<hbm>>
          tpu.wait_indirect_dma semaphore(%run_scoped3A_264 : memref<!tpu.dma_semaphore, #tpu.memory_space<semaphore_mem>>) src(%dma_wait3A_292 : memref<2764800x16xf32, #tpu.memory_space<hbm>>) dst(%dma_wait3A_282 : memref<128x16xf32, #tpu.memory_space<vmem>>)
          tpu.yield
        }) : () -> ()
        "tpu.trace_stop"() : () -> ()
        %ne3A_199 = arith.cmpi ne, %add3A_131, %add3A_149 : i32
        %or3A_200 = arith.constant false
        %or3A_201 = arith.ori %or3A_200, %ne3A_199 : i1
        %or3A_202 = arith.ori %or3A_201, %eq3A_130 : i1
        %convert_element_type3A_203 = arith.extui %or3A_202 : i1 to i32
        %cond3A_204 = arith.constant 0 : i32
        %cond3A_205 = arith.cmpi ne, %convert_element_type3A_203, %cond3A_204 : i32
        scf.if %cond3A_205 {
        } else {
        }
        %and3A_206 = arith.constant false
        %and3A_207 = arith.andi %or3A_202, %and3A_206 : i1
        %ne3A_208 = arith.cmpi ne, %add3A_131, %add3A_149 : i32
        %or3A_209 = arith.constant false
        %or3A_210 = arith.ori %or3A_209, %ne3A_208 : i1
        %or3A_211 = arith.constant false
        %or3A_212 = arith.ori %or3A_210, %or3A_211 : i1
        %or3A_213 = arith.ori %or3A_212, %eq3A_130 : i1
        %convert_element_type3A_214 = arith.extui %or3A_213 : i1 to i32
        %cond3A_215 = arith.constant 0 : i32
        %cond3A_216 = arith.cmpi ne, %convert_element_type3A_214, %cond3A_215 : i32
        scf.if %cond3A_216 {
          "tpu.trace_start"() <{level = 10 : i32, message = "ep_copy_out"}> : () -> ()
          %rem3A_264 = arith.constant 2 : i32
          %rem3A_265 = arith.remui %scan3A_124, %rem3A_264 : i32
          %mul3A_266 = arith.constant 128 : i32
          %mul3A_267 = arith.muli %mul3A_266, %add3A_131 : i32
          %dma_start3A_268 = arith.constant 0 : i32
          %dma_start3A_269 = arith.constant 0 : i32
          %dma_start3A_270 = tpu.memref_slice %run_scoped3A_8[%rem3A_265, %dma_start3A_268, %dma_start3A_269] : memref<2x128x16xf32, #tpu.memory_space<vmem>> -> memref<1x128x16xf32, #tpu.memory_space<vmem>>
          %dma_start3A_271 = tpu.memref_squeeze %dma_start3A_270 : memref<1x128x16xf32, #tpu.memory_space<vmem>> -> memref<128x16xf32, #tpu.memory_space<vmem>>
          %dma_start3A_272 = arith.constant 0 : i32
          %dma_start3A_273 = tpu.memref_slice %arg4[%mul3A_267, %dma_start3A_272] : memref<614400x16xf32, #tpu.memory_space<hbm>> -> memref<128x16xf32, #tpu.memory_space<hbm>>
          %dma_start3A_274 = tpu.memref_slice %run_scoped3A_9[%rem3A_265] : memref<2x!tpu.dma_semaphore, #tpu.memory_space<semaphore_mem>> -> memref<1x!tpu.dma_semaphore, #tpu.memory_space<semaphore_mem>>
          %dma_start3A_275 = tpu.memref_squeeze %dma_start3A_274 : memref<1x!tpu.dma_semaphore, #tpu.memory_space<semaphore_mem>> -> memref<!tpu.dma_semaphore, #tpu.memory_space<semaphore_mem>>
          %dma_start3A_276 = arith.constant 0 : i32
          %dma_start3A_277 = tpu.memref_slice %arg4[%mul3A_267, %dma_start3A_276] : memref<614400x16xf32, #tpu.memory_space<hbm>> -> memref<128x16xf32, #tpu.memory_space<hbm>>
          %dma_start3A_278 = arith.constant 0 : i32
          %dma_start3A_279 = arith.constant 0 : i32
          %dma_start3A_280 = tpu.memref_slice %run_scoped3A_8[%rem3A_265, %dma_start3A_278, %dma_start3A_279] : memref<2x128x16xf32, #tpu.memory_space<vmem>> -> memref<1x128x16xf32, #tpu.memory_space<vmem>>
          %dma_start3A_281 = tpu.memref_squeeze %dma_start3A_280 : memref<1x128x16xf32, #tpu.memory_space<vmem>> -> memref<128x16xf32, #tpu.memory_space<vmem>>
          tpu.enqueue_dma source(%dma_start3A_281 : memref<128x16xf32, #tpu.memory_space<vmem>>) target(%dma_start3A_277 : memref<128x16xf32, #tpu.memory_space<hbm>>) target_semaphore(%dma_start3A_275 : memref<!tpu.dma_semaphore, #tpu.memory_space<semaphore_mem>>)
          "tpu.trace_stop"() : () -> ()
        } else {
        }
        %and3A_217 = arith.constant true
        %and3A_218 = arith.andi %or3A_213, %and3A_217 : i1
        %add3A_219 = arith.constant 1 : i32
        %add3A_220 = arith.addi %scan3A_124, %add3A_219 : i32
        %select_n3A_221 = arith.select %and3A_218, %add3A_220, %scan3A_124 : i32
        %ne3A_222 = arith.cmpi ne, %add3A_131, %add3A_140 : i32
        %or3A_223 = arith.constant false
        %or3A_224 = arith.ori %or3A_223, %ne3A_222 : i1
        %not3A_225 = arith.constant true
        %not3A_226 = arith.xori %eq3A_128, %not3A_225 : i1
        %and3A_227 = arith.andi %or3A_224, %not3A_226 : i1
        %convert_element_type3A_228 = arith.extui %and3A_227 : i1 to i32
        %cond3A_229 = arith.constant 0 : i32
        %cond3A_230 = arith.cmpi ne, %convert_element_type3A_228, %cond3A_229 : i32
        scf.if %cond3A_230 {
        } else {
        }
        %and3A_231 = arith.constant false
        %and3A_232 = arith.andi %and3A_227, %and3A_231 : i1
        %ne3A_233 = arith.cmpi ne, %add3A_131, %add3A_140 : i32
        %or3A_234 = arith.constant false
        %or3A_235 = arith.ori %or3A_234, %ne3A_233 : i1
        %or3A_236 = arith.constant false
        %or3A_237 = arith.ori %or3A_235, %or3A_236 : i1
        %not3A_238 = arith.constant true
        %not3A_239 = arith.xori %eq3A_128, %not3A_238 : i1
        %and3A_240 = arith.andi %or3A_237, %not3A_239 : i1
        %convert_element_type3A_241 = arith.extui %and3A_240 : i1 to i32
        %cond3A_242 = arith.constant 0 : i32
        %cond3A_243 = arith.cmpi ne, %convert_element_type3A_241, %cond3A_242 : i32
        scf.if %cond3A_243 {
          "tpu.trace_start"() <{level = 10 : i32, message = "ep_wait_out"}> : () -> ()
          %rem3A_264 = arith.constant 2 : i32
          %rem3A_265 = arith.remui %scan3A_125, %rem3A_264 : i32
          %mul3A_266 = arith.constant 128 : i32
          %mul3A_267 = arith.muli %mul3A_266, %add3A_140 : i32
          %dma_wait3A_268 = arith.constant 0 : i32
          %dma_wait3A_269 = arith.constant 0 : i32
          %dma_wait3A_270 = tpu.memref_slice %run_scoped3A_8[%rem3A_265, %dma_wait3A_268, %dma_wait3A_269] : memref<2x128x16xf32, #tpu.memory_space<vmem>> -> memref<1x128x16xf32, #tpu.memory_space<vmem>>
          %dma_wait3A_271 = tpu.memref_squeeze %dma_wait3A_270 : memref<1x128x16xf32, #tpu.memory_space<vmem>> -> memref<128x16xf32, #tpu.memory_space<vmem>>
          %dma_wait3A_272 = arith.constant 0 : i32
          %dma_wait3A_273 = tpu.memref_slice %arg4[%mul3A_267, %dma_wait3A_272] : memref<614400x16xf32, #tpu.memory_space<hbm>> -> memref<128x16xf32, #tpu.memory_space<hbm>>
          %dma_wait3A_274 = tpu.memref_slice %run_scoped3A_9[%rem3A_265] : memref<2x!tpu.dma_semaphore, #tpu.memory_space<semaphore_mem>> -> memref<1x!tpu.dma_semaphore, #tpu.memory_space<semaphore_mem>>
          %dma_wait3A_275 = tpu.memref_squeeze %dma_wait3A_274 : memref<1x!tpu.dma_semaphore, #tpu.memory_space<semaphore_mem>> -> memref<!tpu.dma_semaphore, #tpu.memory_space<semaphore_mem>>
          %dma_wait3A_276 = arith.constant 0 : i32
          %dma_wait3A_277 = tpu.memref_slice %arg4[%mul3A_267, %dma_wait3A_276] : memref<614400x16xf32, #tpu.memory_space<hbm>> -> memref<128x16xf32, #tpu.memory_space<hbm>>
          %dma_wait3A_278 = arith.constant 0 : i32
          %dma_wait3A_279 = arith.constant 0 : i32
          %dma_wait3A_280 = tpu.memref_slice %run_scoped3A_8[%rem3A_265, %dma_wait3A_278, %dma_wait3A_279] : memref<2x128x16xf32, #tpu.memory_space<vmem>> -> memref<1x128x16xf32, #tpu.memory_space<vmem>>
          %dma_wait3A_281 = tpu.memref_squeeze %dma_wait3A_280 : memref<1x128x16xf32, #tpu.memory_space<vmem>> -> memref<128x16xf32, #tpu.memory_space<vmem>>
          tpu.wait_dma2 semaphore(%dma_wait3A_275 : memref<!tpu.dma_semaphore, #tpu.memory_space<semaphore_mem>>) src(%dma_wait3A_281 : memref<128x16xf32, #tpu.memory_space<vmem>>) dst(%dma_wait3A_277 : memref<128x16xf32, #tpu.memory_space<hbm>>)
          "tpu.trace_stop"() : () -> ()
        } else {
        }
        %and3A_244 = arith.constant true
        %and3A_245 = arith.andi %and3A_240, %and3A_244 : i1
        %add3A_246 = arith.constant 1 : i32
        %add3A_247 = arith.addi %scan3A_125, %add3A_246 : i32
        %select_n3A_248 = arith.select %and3A_245, %add3A_247, %scan3A_125 : i32
        %ne3A_249 = arith.cmpi ne, %add3A_131, %add3A_149 : i32
        %or3A_250 = arith.constant false
        %or3A_251 = arith.ori %or3A_250, %ne3A_249 : i1
        %or3A_252 = arith.ori %or3A_251, %eq3A_130 : i1
        %add3A_253 = arith.constant 1 : i32
        %add3A_254 = arith.addi %scan3A_123, %add3A_253 : i32
        %select_n3A_255 = arith.select %or3A_252, %add3A_254, %scan3A_123 : i32
        %add3A_256 = arith.constant 1 : i32
        %add3A_257 = arith.addi %scan3A_126, %add3A_256 : i32
        %select_n3A_258 = arith.constant true
        %select_n3A_259 = arith.select %select_n3A_258, %add3A_257, %scan3A_126 : i32
        %eq3A_260 = arith.constant 150 : i32
        %eq3A_261 = arith.cmpi eq, %select_n3A_259, %eq3A_260 : i32
        %select_n3A_262 = arith.constant 0 : i32
        %select_n3A_263 = arith.select %eq3A_261, %select_n3A_262, %select_n3A_259 : i32
        scf.yield %select_n3A_167, %select_n3A_255, %select_n3A_221, %select_n3A_248, %select_n3A_263 : i32, i32, i32, i32, i32
      }
      %scan3A_68 = arith.constant 150 : i32
      %sub3A = arith.constant 1 : i32
      %sub3A_69 = arith.subi %scan3A_67#4, %sub3A : i32
      %select_n3A_70 = arith.constant true
      %select_n3A_71 = arith.select %select_n3A_70, %sub3A_69, %scan3A_67#4 : i32
      %eq3A_72 = arith.constant -1 : i32
      %eq3A_73 = arith.cmpi eq, %select_n3A_71, %eq3A_72 : i32
      %select_n3A_74 = arith.constant 149 : i32
      %select_n3A_75 = arith.select %eq3A_73, %select_n3A_74, %select_n3A_71 : i32
      %add3A_76 = arith.addi %select_n3A_75, %mul3A_6 : i32
      %sub3A_77 = arith.constant 1 : i32
      %sub3A_78 = arith.subi %select_n3A_75, %sub3A_77 : i32
      %select_n3A_79 = arith.constant true
      %select_n3A_80 = arith.select %select_n3A_79, %sub3A_78, %select_n3A_75 : i32
      %eq3A_81 = arith.constant -1 : i32
      %eq3A_82 = arith.cmpi eq, %select_n3A_80, %eq3A_81 : i32
      %select_n3A_83 = arith.constant 149 : i32
      %select_n3A_84 = arith.select %eq3A_82, %select_n3A_83, %select_n3A_80 : i32
      %add3A_85 = arith.addi %select_n3A_84, %mul3A_6 : i32
      %add3A_86 = arith.constant 1 : i32
      %add3A_87 = arith.addi %select_n3A_75, %add3A_86 : i32
      %select_n3A_88 = arith.constant true
      %select_n3A_89 = arith.select %select_n3A_88, %add3A_87, %select_n3A_75 : i32
      %eq3A_90 = arith.constant 150 : i32
      %eq3A_91 = arith.cmpi eq, %select_n3A_89, %eq3A_90 : i32
      %select_n3A_92 = arith.constant 0 : i32
      %select_n3A_93 = arith.select %eq3A_91, %select_n3A_92, %select_n3A_89 : i32
      %add3A_94 = arith.addi %select_n3A_93, %mul3A_6 : i32
      %add3A_95 = arith.constant 1 : i32
      %add3A_96 = arith.addi %select_n3A_93, %add3A_95 : i32
      %select_n3A_97 = arith.constant true
      %select_n3A_98 = arith.select %select_n3A_97, %add3A_96, %select_n3A_93 : i32
      %eq3A_99 = arith.constant 150 : i32
      %eq3A_100 = arith.cmpi eq, %select_n3A_98, %eq3A_99 : i32
      %select_n3A_101 = arith.constant 0 : i32
      %select_n3A_102 = arith.select %eq3A_100, %select_n3A_101, %select_n3A_98 : i32
      %add3A_103 = arith.addi %select_n3A_102, %mul3A_6 : i32
      "tpu.trace_start"() <{level = 10 : i32, message = "ep_finalize"}> : () -> ()
      %rem3A_104 = arith.constant 2 : i32
      %rem3A_105 = arith.remui %scan3A_67#3, %rem3A_104 : i32
      %mul3A_106 = arith.constant 128 : i32
      %mul3A_107 = arith.muli %mul3A_106, %add3A_76 : i32
      %dma_wait3A = arith.constant 0 : i32
      %dma_wait3A_108 = arith.constant 0 : i32
      %dma_wait3A_109 = tpu.memref_slice %run_scoped3A_8[%rem3A_105, %dma_wait3A, %dma_wait3A_108] : memref<2x128x16xf32, #tpu.memory_space<vmem>> -> memref<1x128x16xf32, #tpu.memory_space<vmem>>
      %dma_wait3A_110 = tpu.memref_squeeze %dma_wait3A_109 : memref<1x128x16xf32, #tpu.memory_space<vmem>> -> memref<128x16xf32, #tpu.memory_space<vmem>>
      %dma_wait3A_111 = arith.constant 0 : i32
      %dma_wait3A_112 = tpu.memref_slice %arg4[%mul3A_107, %dma_wait3A_111] : memref<614400x16xf32, #tpu.memory_space<hbm>> -> memref<128x16xf32, #tpu.memory_space<hbm>>
      %dma_wait3A_113 = tpu.memref_slice %run_scoped3A_9[%rem3A_105] : memref<2x!tpu.dma_semaphore, #tpu.memory_space<semaphore_mem>> -> memref<1x!tpu.dma_semaphore, #tpu.memory_space<semaphore_mem>>
      %dma_wait3A_114 = tpu.memref_squeeze %dma_wait3A_113 : memref<1x!tpu.dma_semaphore, #tpu.memory_space<semaphore_mem>> -> memref<!tpu.dma_semaphore, #tpu.memory_space<semaphore_mem>>
      %dma_wait3A_115 = arith.constant 0 : i32
      %dma_wait3A_116 = tpu.memref_slice %arg4[%mul3A_107, %dma_wait3A_115] : memref<614400x16xf32, #tpu.memory_space<hbm>> -> memref<128x16xf32, #tpu.memory_space<hbm>>
      %dma_wait3A_117 = arith.constant 0 : i32
      %dma_wait3A_118 = arith.constant 0 : i32
      %dma_wait3A_119 = tpu.memref_slice %run_scoped3A_8[%rem3A_105, %dma_wait3A_117, %dma_wait3A_118] : memref<2x128x16xf32, #tpu.memory_space<vmem>> -> memref<1x128x16xf32, #tpu.memory_space<vmem>>
      %dma_wait3A_120 = tpu.memref_squeeze %dma_wait3A_119 : memref<1x128x16xf32, #tpu.memory_space<vmem>> -> memref<128x16xf32, #tpu.memory_space<vmem>>
      tpu.wait_dma2 semaphore(%dma_wait3A_114 : memref<!tpu.dma_semaphore, #tpu.memory_space<semaphore_mem>>) src(%dma_wait3A_120 : memref<128x16xf32, #tpu.memory_space<vmem>>) dst(%dma_wait3A_116 : memref<128x16xf32, #tpu.memory_space<hbm>>)
      "tpu.trace_stop"() : () -> ()
      tpu.yield
    }) : () -> ()
    return
  }
}

module attributes {stable_mosaic.version = 14 : i64} {
  func.func @_index_kernel(%arg0: i32, %arg1: memref<2048x10xf32, #tpu.memory_space<vmem>>, %arg2: memref<2048x6xf32, #tpu.memory_space<vmem>>, %arg3: memref<2048x2xi32, #tpu.memory_space<vmem>>, %arg4: memref<2048x1xf32, #tpu.memory_space<vmem>>, %arg5: memref<2048x1xf32, #tpu.memory_space<vmem>>) attributes {dimension_semantics = [#tpu.dimension_semantics<arbitrary>], iteration_bounds = array<i64: 150>, scalar_prefetch = 0 : i64, scratch_operands = 0 : i64, tpu.core_type = #tpu.core_type<tc>, window_params = [{transform_indices = @transform_0, window_bounds = array<i64: 2048, 10>}, {transform_indices = @transform_1, window_bounds = array<i64: 2048, 6>}, {transform_indices = @transform_2, window_bounds = array<i64: 2048, 2>}, {transform_indices = @transform_3, window_bounds = array<i64: 2048, 1>}, {transform_indices = @transform_4, window_bounds = array<i64: 2048, 1>}]} {
    %get3A = arith.constant 0 : index
    %get3A_0 = arith.constant 0 : index
    %get3A_1 = vector.load %arg1[%get3A, %get3A_0] : memref<2048x10xf32, #tpu.memory_space<vmem>>, vector<2048x10xf32>
    %reduce_max3A = arith.constant dense<0xFF800000> : vector<2048xf32>
    %reduce_max3A_2 = vector.multi_reduction <maximumf>, %get3A_1, %reduce_max3A [1] : vector<2048x10xf32> to vector<2048xf32>
    %broadcast_in_dim3A = vector.shape_cast %reduce_max3A_2 : vector<2048xf32> to vector<2048x1xf32>
    %iota3A = tpu.iota {dimensions = array<i32: 1>} : vector<2048x10xi32>
    %eq3A = vector.broadcast %broadcast_in_dim3A : vector<2048x1xf32> to vector<2048x10xf32>
    %eq3A_3 = arith.cmpf oeq, %get3A_1, %eq3A : vector<2048x10xf32>
    %jit3A = arith.constant 10 : i32
    %broadcast_in_dim3A_4 = vector.broadcast %jit3A : i32 to vector<2048x10xi32>
    %select_n3A = arith.select %eq3A_3, %iota3A, %broadcast_in_dim3A_4 : vector<2048x10xi1>, vector<2048x10xi32>
    %reduce_min3A = arith.constant dense<2147483647> : vector<2048xi32>
    %reduce_min3A_5 = vector.multi_reduction <minsi>, %select_n3A, %reduce_min3A [1] : vector<2048x10xi32> to vector<2048xi32>
    %broadcast_in_dim3A_6 = vector.shape_cast %reduce_min3A_5 : vector<2048xi32> to vector<2048x1xi32>
    %lt3A = arith.constant 5.000000e-01 : f32
    %lt3A_7 = vector.broadcast %lt3A : f32 to vector<2048x1xf32>
    %lt3A_8 = arith.cmpf olt, %broadcast_in_dim3A, %lt3A_7 : vector<2048x1xf32>
    %gt3A = arith.constant 4 : i32
    %gt3A_9 = vector.broadcast %gt3A : i32 to vector<2048x1xi32>
    %gt3A_10 = arith.cmpi sgt, %broadcast_in_dim3A_6, %gt3A_9 : vector<2048x1xi32>
    %or3A = arith.ori %lt3A_8, %gt3A_10 : vector<2048x1xi1>
    %get3A_11 = arith.constant 0 : index
    %get3A_12 = arith.constant 0 : index
    %get3A_13 = vector.load %arg2[%get3A_11, %get3A_12] : memref<2048x6xf32, #tpu.memory_space<vmem>>, vector<2048x6xf32>
    %iota3A_14 = tpu.iota {dimensions = array<i32: 1>} : vector<2048x6xi32>
    %reduce_max3A_15 = arith.constant dense<0xFF800000> : vector<2048xf32>
    %reduce_max3A_16 = vector.multi_reduction <maximumf>, %get3A_13, %reduce_max3A_15 [1] : vector<2048x6xf32> to vector<2048xf32>
    %broadcast_in_dim3A_17 = vector.shape_cast %reduce_max3A_16 : vector<2048xf32> to vector<2048x1xf32>
    %eq3A_18 = vector.broadcast %broadcast_in_dim3A_17 : vector<2048x1xf32> to vector<2048x6xf32>
    %eq3A_19 = arith.cmpf oeq, %get3A_13, %eq3A_18 : vector<2048x6xf32>
    %jit3A_20 = arith.constant 6 : i32
    %broadcast_in_dim3A_21 = vector.broadcast %jit3A_20 : i32 to vector<2048x6xi32>
    %select_n3A_22 = arith.select %eq3A_19, %iota3A_14, %broadcast_in_dim3A_21 : vector<2048x6xi1>, vector<2048x6xi32>
    %reduce_min3A_23 = arith.constant dense<2147483647> : vector<2048xi32>
    %reduce_min3A_24 = vector.multi_reduction <minsi>, %select_n3A_22, %reduce_min3A_23 [1] : vector<2048x6xi32> to vector<2048xi32>
    %broadcast_in_dim3A_25 = vector.shape_cast %reduce_min3A_24 : vector<2048xi32> to vector<2048x1xi32>
    %mul3A = arith.constant 2048 : i32
    %mul3A_26 = arith.muli %arg0, %mul3A : i32
    %iota3A_27 = tpu.iota {dimensions = array<i32: 0>} : vector<2048x1xi32>
    %add3A = vector.broadcast %mul3A_26 : i32 to vector<2048x1xi32>
    %add3A_28 = arith.addi %add3A, %iota3A_27 : vector<2048x1xi32>
    %mul3A_29 = arith.constant 6 : i32
    %mul3A_30 = vector.broadcast %mul3A_29 : i32 to vector<2048x1xi32>
    %mul3A_31 = arith.muli %add3A_28, %mul3A_30 : vector<2048x1xi32>
    %add3A_32 = arith.addi %mul3A_31, %broadcast_in_dim3A_25 : vector<2048x1xi32>
    %mul3A_33 = arith.constant 3 : i32
    %mul3A_34 = vector.broadcast %mul3A_33 : i32 to vector<2048x1xi32>
    %mul3A_35 = arith.muli %add3A_32, %mul3A_34 : vector<2048x1xi32>
    %jit3A_36 = arith.constant 2 : i32
    %div3A = vector.broadcast %jit3A_36 : i32 to vector<2048x1xi32>
    %div3A_37 = arith.divsi %mul3A_35, %div3A : vector<2048x1xi32>
    %sign3A = arith.constant 0 : i32
    %sign3A_38 = vector.broadcast %sign3A : i32 to vector<2048x1xi32>
    %sign3A_39 = arith.cmpi sgt, %mul3A_35, %sign3A_38 : vector<2048x1xi32>
    %sign3A_40 = arith.extui %sign3A_39 : vector<2048x1xi1> to vector<2048x1xi32>
    %sign3A_41 = arith.constant 0 : i32
    %sign3A_42 = vector.broadcast %sign3A_41 : i32 to vector<2048x1xi32>
    %sign3A_43 = arith.cmpi slt, %mul3A_35, %sign3A_42 : vector<2048x1xi32>
    %sign3A_44 = arith.extui %sign3A_43 : vector<2048x1xi1> to vector<2048x1xi32>
    %sign3A_45 = arith.subi %sign3A_40, %sign3A_44 : vector<2048x1xi32>
    %sign3A_46 = arith.constant 0 : i32
    %sign3A_47 = arith.cmpi sgt, %jit3A_36, %sign3A_46 : i32
    %sign3A_48 = arith.extui %sign3A_47 : i1 to i32
    %sign3A_49 = arith.constant 0 : i32
    %sign3A_50 = arith.cmpi slt, %jit3A_36, %sign3A_49 : i32
    %sign3A_51 = arith.extui %sign3A_50 : i1 to i32
    %sign3A_52 = arith.subi %sign3A_48, %sign3A_51 : i32
    %ne3A = vector.broadcast %sign3A_52 : i32 to vector<2048x1xi32>
    %ne3A_53 = arith.cmpi ne, %sign3A_45, %ne3A : vector<2048x1xi32>
    %rem3A = vector.broadcast %jit3A_36 : i32 to vector<2048x1xi32>
    %rem3A_54 = arith.remsi %mul3A_35, %rem3A : vector<2048x1xi32>
    %ne3A_55 = arith.constant 0 : i32
    %ne3A_56 = vector.broadcast %ne3A_55 : i32 to vector<2048x1xi32>
    %ne3A_57 = arith.cmpi ne, %rem3A_54, %ne3A_56 : vector<2048x1xi32>
    %and3A = arith.andi %ne3A_53, %ne3A_57 : vector<2048x1xi1>
    %sub3A = arith.constant 1 : i32
    %sub3A_58 = vector.broadcast %sub3A : i32 to vector<2048x1xi32>
    %sub3A_59 = arith.subi %div3A_37, %sub3A_58 : vector<2048x1xi32>
    %select_n3A_60 = arith.select %and3A, %sub3A_59, %div3A_37 : vector<2048x1xi1>, vector<2048x1xi32>
    %add3A_61 = arith.constant 1 : i32
    %add3A_62 = vector.broadcast %add3A_61 : i32 to vector<2048x1xi32>
    %add3A_63 = arith.addi %select_n3A_60, %add3A_62 : vector<2048x1xi32>
    %concatenate3A = tpu.concatenate %select_n3A_60, %add3A_63 in 1 : vector<2048x1xi32>, vector<2048x1xi32> -> vector<2048x2xi32>
    %swap3A = arith.constant 0 : index
    %swap3A_64 = arith.constant 0 : index
    %swap3A_65 = vector.load %arg3[%swap3A, %swap3A_64] : memref<2048x2xi32, #tpu.memory_space<vmem>>, vector<2048x2xi32>
    tpu.vector_store %arg3[%swap3A, %swap3A_64], %concatenate3A {strides = array<i32>} : memref<2048x2xi32, #tpu.memory_space<vmem>>, vector<2048x2xi32>,
    %jit3A_66 = arith.constant 1.000000e+00 : f32
    %jit3A_67 = arith.constant 0.000000e+00 : f32
    %broadcast_in_dim3A_68 = vector.broadcast %jit3A_66 : f32 to vector<2048x1xf32>
    %broadcast_in_dim3A_69 = vector.broadcast %jit3A_67 : f32 to vector<2048x1xf32>
    %select_n3A_70 = arith.select %or3A, %broadcast_in_dim3A_68, %broadcast_in_dim3A_69 : vector<2048x1xi1>, vector<2048x1xf32>
    %swap3A_71 = arith.constant 0 : index
    %swap3A_72 = arith.constant 0 : index
    %swap3A_73 = vector.load %arg4[%swap3A_71, %swap3A_72] : memref<2048x1xf32, #tpu.memory_space<vmem>>, vector<2048x1xf32>
    tpu.vector_store %arg4[%swap3A_71, %swap3A_72], %select_n3A_70 {strides = array<i32>} : memref<2048x1xf32, #tpu.memory_space<vmem>>, vector<2048x1xf32>,
    %jit3A_74 = arith.constant 2 : i32
    %eq3A_75 = arith.constant 0 : i32
    %eq3A_76 = arith.cmpi eq, %jit3A_74, %eq3A_75 : i32
    %jit3A_77 = arith.constant 1 : i32
    %select_n3A_78 = arith.select %eq3A_76, %jit3A_77, %jit3A_74 : i32
    %rem3A_79 = vector.broadcast %select_n3A_78 : i32 to vector<2048x1xi32>
    %rem3A_80 = arith.remsi %add3A_32, %rem3A_79 : vector<2048x1xi32>
    %ne3A_81 = arith.constant 0 : i32
    %ne3A_82 = vector.broadcast %ne3A_81 : i32 to vector<2048x1xi32>
    %ne3A_83 = arith.cmpi ne, %rem3A_80, %ne3A_82 : vector<2048x1xi32>
    %lt3A_84 = arith.constant 0 : i32
    %lt3A_85 = vector.broadcast %lt3A_84 : i32 to vector<2048x1xi32>
    %lt3A_86 = arith.cmpi slt, %rem3A_80, %lt3A_85 : vector<2048x1xi32>
    %lt3A_87 = arith.constant 0 : i32
    %lt3A_88 = arith.cmpi slt, %select_n3A_78, %lt3A_87 : i32
    %ne3A_89 = vector.broadcast %lt3A_88 : i1 to vector<2048x1xi1>
    %ne3A_90 = vector.broadcast %ne3A_89 : vector<2048x1xi1> to vector<2048x1xi1>
    %ne3A_91 = arith.xori %lt3A_86, %ne3A_90 : vector<2048x1xi1>
    %and3A_92 = arith.andi %ne3A_91, %ne3A_83 : vector<2048x1xi1>
    %add3A_93 = vector.broadcast %select_n3A_78 : i32 to vector<2048x1xi32>
    %add3A_94 = arith.addi %rem3A_80, %add3A_93 : vector<2048x1xi32>
    %select_n3A_95 = arith.select %and3A_92, %add3A_94, %rem3A_80 : vector<2048x1xi1>, vector<2048x1xi32>
    %eq3A_96 = arith.constant 1 : i32
    %eq3A_97 = vector.broadcast %eq3A_96 : i32 to vector<2048x1xi32>
    %eq3A_98 = arith.cmpi eq, %select_n3A_95, %eq3A_97 : vector<2048x1xi32>
    %jit3A_99 = arith.constant 8.000000e+00 : f32
    %jit3A_100 = arith.constant 0.000000e+00 : f32
    %broadcast_in_dim3A_101 = vector.broadcast %jit3A_99 : f32 to vector<2048x1xf32>
    %broadcast_in_dim3A_102 = vector.broadcast %jit3A_100 : f32 to vector<2048x1xf32>
    %select_n3A_103 = arith.select %eq3A_98, %broadcast_in_dim3A_101, %broadcast_in_dim3A_102 : vector<2048x1xi1>, vector<2048x1xf32>
    %swap3A_104 = arith.constant 0 : index
    %swap3A_105 = arith.constant 0 : index
    %swap3A_106 = vector.load %arg5[%swap3A_104, %swap3A_105] : memref<2048x1xf32, #tpu.memory_space<vmem>>, vector<2048x1xf32>
    tpu.vector_store %arg5[%swap3A_104, %swap3A_105], %select_n3A_103 {strides = array<i32>} : memref<2048x1xf32, #tpu.memory_space<vmem>>, vector<2048x1xf32>,
    return
  }
  func.func @transform_0(%arg0: i32) -> (i32, i32) {
    %c0_i32 = arith.constant 0 : i32
    %c0_i32_0 = arith.constant 0 : i32
    return %arg0, %c0_i32 : i32, i32
  }
  func.func @transform_1(%arg0: i32) -> (i32, i32) {
    %c0_i32 = arith.constant 0 : i32
    %c0_i32_0 = arith.constant 0 : i32
    return %arg0, %c0_i32 : i32, i32
  }
  func.func @transform_2(%arg0: i32) -> (i32, i32) {
    %c0_i32 = arith.constant 0 : i32
    %c0_i32_0 = arith.constant 0 : i32
    return %arg0, %c0_i32 : i32, i32
  }
  func.func @transform_3(%arg0: i32) -> (i32, i32) {
    %c0_i32 = arith.constant 0 : i32
    %c0_i32_0 = arith.constant 0 : i32
    return %arg0, %c0_i32 : i32, i32
  }
  func.func @transform_4(%arg0: i32) -> (i32, i32) {
    %c0_i32 = arith.constant 0 : i32
    %c0_i32_0 = arith.constant 0 : i32
    return %arg0, %c0_i32 : i32, i32
  }
}

module attributes {stable_mosaic.version = 14 : i64} {
  func.func @_loss_kernel(%arg0: i32, %arg1: memref<8x300x32xf32, #tpu.memory_space<vmem>>, %arg2: memref<8x300x1xf32, #tpu.memory_space<vmem>>, %arg3: memref<8x300x1xf32, #tpu.memory_space<vmem>>, %arg4: memref<8x300x2xf32, #tpu.memory_space<vmem>>, %arg5: memref<8x24xf32, #tpu.memory_space<vmem>>, %arg6: memref<1x1xf32, #tpu.memory_space<vmem>>) attributes {dimension_semantics = [#tpu.dimension_semantics<arbitrary>], iteration_bounds = array<i64: 128>, scalar_prefetch = 0 : i64, scratch_operands = 0 : i64, tpu.core_type = #tpu.core_type<tc>, window_params = [{transform_indices = @transform_0, window_bounds = array<i64: 8, 300, 32>}, {transform_indices = @transform_1, window_bounds = array<i64: 8, 300, 1>}, {transform_indices = @transform_2, window_bounds = array<i64: 8, 300, 1>}, {transform_indices = @transform_3, window_bounds = array<i64: 8, 300, 2>}, {transform_indices = @transform_4, window_bounds = array<i64: 8, 24>}, {pipeline_mode = #tpu.pipeline_mode<synchronous>, transform_indices = @transform_5, window_bounds = array<i64: 1, 1>}]} {
    %get3A = arith.constant 0 : index
    %get3A_0 = arith.constant 0 : index
    %get3A_1 = arith.constant 0 : index
    %get3A_2 = vector.load %arg1[%get3A, %get3A_0, %get3A_1] : memref<8x300x32xf32, #tpu.memory_space<vmem>>, vector<8x300x32xf32>
    %get3A_3 = arith.constant 0 : index
    %get3A_4 = arith.constant 0 : index
    %get3A_5 = arith.constant 0 : index
    %get3A_6 = vector.load %arg3[%get3A_3, %get3A_4, %get3A_5] : memref<8x300x1xf32, #tpu.memory_space<vmem>>, vector<8x300x1xf32>
    %gt3A = arith.constant 4.000000e+00 : f32
    %gt3A_7 = vector.broadcast %gt3A : f32 to vector<8x300x1xf32>
    %gt3A_8 = arith.cmpf ogt, %get3A_6, %gt3A_7 : vector<8x300x1xf32>
    %slice3A = vector.extract_strided_slice %get3A_2 {offsets = [0, 0, 8], sizes = [8, 300, 24], strides = [1, 1, 1]} : vector<8x300x32xf32> to vector<8x300x24xf32>
    %slice3A_9 = vector.extract_strided_slice %get3A_2 {offsets = [0, 0, 0], sizes = [8, 300, 24], strides = [1, 1, 1]} : vector<8x300x32xf32> to vector<8x300x24xf32>
    %broadcast_in_dim3A = vector.shape_cast %gt3A_8 : vector<8x300x1xi1> to vector<8x300x1xi1>
    %broadcast_in_dim3A_10 = vector.broadcast %broadcast_in_dim3A : vector<8x300x1xi1> to vector<8x300x24xi1>
    %select_n3A = arith.select %broadcast_in_dim3A_10, %slice3A, %slice3A_9 : vector<8x300x24xi1>, vector<8x300x24xf32>
    %get3A_11 = arith.constant 0 : index
    %get3A_12 = arith.constant 0 : index
    %get3A_13 = arith.constant 0 : index
    %get3A_14 = vector.load %arg4[%get3A_11, %get3A_12, %get3A_13] : memref<8x300x2xf32, #tpu.memory_space<vmem>>, vector<8x300x2xf32>
    %get3A_15 = arith.constant 0 : index
    %get3A_16 = arith.constant 0 : index
    %get3A_17 = vector.load %arg5[%get3A_15, %get3A_16] : memref<8x24xf32, #tpu.memory_space<vmem>>, vector<8x24xf32>
    %iota3A = tpu.iota {dimensions = array<i32: 2>} : vector<8x300x24xi32>
    %slice3A_18 = vector.extract_strided_slice %get3A_14 {offsets = [0, 0, 0], sizes = [8, 300, 1], strides = [1, 1, 1]} : vector<8x300x2xf32> to vector<8x300x1xf32>
    %slice3A_19 = vector.extract_strided_slice %get3A_14 {offsets = [0, 0, 1], sizes = [8, 300, 1], strides = [1, 1, 1]} : vector<8x300x2xf32> to vector<8x300x1xf32>
    %eq3A = arith.constant 0 : i32
    %eq3A_20 = vector.broadcast %eq3A : i32 to vector<8x300x24xi32>
    %eq3A_21 = arith.cmpi eq, %iota3A, %eq3A_20 : vector<8x300x24xi32>
    %add3A = vector.broadcast %slice3A_18 : vector<8x300x1xf32> to vector<8x300x24xf32>
    %add3A_22 = arith.addf %select_n3A, %add3A : vector<8x300x24xf32>
    %eq3A_23 = arith.constant 1 : i32
    %eq3A_24 = vector.broadcast %eq3A_23 : i32 to vector<8x300x24xi32>
    %eq3A_25 = arith.cmpi eq, %iota3A, %eq3A_24 : vector<8x300x24xi32>
    %add3A_26 = vector.broadcast %slice3A_19 : vector<8x300x1xf32> to vector<8x300x24xf32>
    %add3A_27 = arith.addf %select_n3A, %add3A_26 : vector<8x300x24xf32>
    %select_n3A_28 = arith.select %eq3A_25, %add3A_27, %select_n3A : vector<8x300x24xi1>, vector<8x300x24xf32>
    %select_n3A_29 = arith.select %eq3A_21, %add3A_22, %select_n3A_28 : vector<8x300x24xi1>, vector<8x300x24xf32>
    %ge3A = arith.constant 2 : i32
    %ge3A_30 = vector.broadcast %ge3A : i32 to vector<8x300x24xi32>
    %ge3A_31 = arith.cmpi sge, %iota3A, %ge3A_30 : vector<8x300x24xi32>
    %slice3A_32 = vector.extract_strided_slice %select_n3A_29 {offsets = [0, 0, 22], sizes = [8, 300, 2], strides = [1, 1, 1]} : vector<8x300x24xf32> to vector<8x300x2xf32>
    %slice3A_33 = vector.extract_strided_slice %select_n3A_29 {offsets = [0, 0, 0], sizes = [8, 300, 22], strides = [1, 1, 1]} : vector<8x300x24xf32> to vector<8x300x22xf32>
    %concatenate3A = tpu.concatenate %slice3A_32, %slice3A_33 in 2 : vector<8x300x2xf32>, vector<8x300x22xf32> -> vector<8x300x24xf32>
    %jit3A = arith.constant 0.000000e+00 : f32
    %broadcast_in_dim3A_34 = vector.broadcast %jit3A : f32 to vector<8x300x24xf32>
    %select_n3A_35 = arith.select %ge3A_31, %concatenate3A, %broadcast_in_dim3A_34 : vector<8x300x24xi1>, vector<8x300x24xf32>
    %add3A_36 = arith.addf %select_n3A_29, %select_n3A_35 : vector<8x300x24xf32>
    %ge3A_37 = arith.constant 4 : i32
    %ge3A_38 = vector.broadcast %ge3A_37 : i32 to vector<8x300x24xi32>
    %ge3A_39 = arith.cmpi sge, %iota3A, %ge3A_38 : vector<8x300x24xi32>
    %slice3A_40 = vector.extract_strided_slice %add3A_36 {offsets = [0, 0, 20], sizes = [8, 300, 4], strides = [1, 1, 1]} : vector<8x300x24xf32> to vector<8x300x4xf32>
    %slice3A_41 = vector.extract_strided_slice %add3A_36 {offsets = [0, 0, 0], sizes = [8, 300, 20], strides = [1, 1, 1]} : vector<8x300x24xf32> to vector<8x300x20xf32>
    %concatenate3A_42 = tpu.concatenate %slice3A_40, %slice3A_41 in 2 : vector<8x300x4xf32>, vector<8x300x20xf32> -> vector<8x300x24xf32>
    %jit3A_43 = arith.constant 0.000000e+00 : f32
    %broadcast_in_dim3A_44 = vector.broadcast %jit3A_43 : f32 to vector<8x300x24xf32>
    %select_n3A_45 = arith.select %ge3A_39, %concatenate3A_42, %broadcast_in_dim3A_44 : vector<8x300x24xi1>, vector<8x300x24xf32>
    %add3A_46 = arith.addf %add3A_36, %select_n3A_45 : vector<8x300x24xf32>
    %ge3A_47 = arith.constant 8 : i32
    %ge3A_48 = vector.broadcast %ge3A_47 : i32 to vector<8x300x24xi32>
    %ge3A_49 = arith.cmpi sge, %iota3A, %ge3A_48 : vector<8x300x24xi32>
    %slice3A_50 = vector.extract_strided_slice %add3A_46 {offsets = [0, 0, 16], sizes = [8, 300, 8], strides = [1, 1, 1]} : vector<8x300x24xf32> to vector<8x300x8xf32>
    %slice3A_51 = vector.extract_strided_slice %add3A_46 {offsets = [0, 0, 0], sizes = [8, 300, 16], strides = [1, 1, 1]} : vector<8x300x24xf32> to vector<8x300x16xf32>
    %concatenate3A_52 = tpu.concatenate %slice3A_50, %slice3A_51 in 2 : vector<8x300x8xf32>, vector<8x300x16xf32> -> vector<8x300x24xf32>
    %jit3A_53 = arith.constant 0.000000e+00 : f32
    %broadcast_in_dim3A_54 = vector.broadcast %jit3A_53 : f32 to vector<8x300x24xf32>
    %select_n3A_55 = arith.select %ge3A_49, %concatenate3A_52, %broadcast_in_dim3A_54 : vector<8x300x24xi1>, vector<8x300x24xf32>
    %add3A_56 = arith.addf %add3A_46, %select_n3A_55 : vector<8x300x24xf32>
    %ge3A_57 = arith.constant 16 : i32
    %ge3A_58 = vector.broadcast %ge3A_57 : i32 to vector<8x300x24xi32>
    %ge3A_59 = arith.cmpi sge, %iota3A, %ge3A_58 : vector<8x300x24xi32>
    %slice3A_60 = vector.extract_strided_slice %add3A_56 {offsets = [0, 0, 8], sizes = [8, 300, 16], strides = [1, 1, 1]} : vector<8x300x24xf32> to vector<8x300x16xf32>
    %slice3A_61 = vector.extract_strided_slice %add3A_56 {offsets = [0, 0, 0], sizes = [8, 300, 8], strides = [1, 1, 1]} : vector<8x300x24xf32> to vector<8x300x8xf32>
    %concatenate3A_62 = tpu.concatenate %slice3A_60, %slice3A_61 in 2 : vector<8x300x16xf32>, vector<8x300x8xf32> -> vector<8x300x24xf32>
    %jit3A_63 = arith.constant 0.000000e+00 : f32
    %broadcast_in_dim3A_64 = vector.broadcast %jit3A_63 : f32 to vector<8x300x24xf32>
    %select_n3A_65 = arith.select %ge3A_59, %concatenate3A_62, %broadcast_in_dim3A_64 : vector<8x300x24xi1>, vector<8x300x24xf32>
    %add3A_66 = arith.addf %add3A_56, %select_n3A_65 : vector<8x300x24xf32>
    %iota3A_67 = tpu.iota {dimensions = array<i32: 1>} : vector<8x24xi32>
    %ge3A_68 = arith.constant 2 : i32
    %ge3A_69 = vector.broadcast %ge3A_68 : i32 to vector<8x24xi32>
    %ge3A_70 = arith.cmpi sge, %iota3A_67, %ge3A_69 : vector<8x24xi32>
    %slice3A_71 = vector.extract_strided_slice %get3A_17 {offsets = [0, 22], sizes = [8, 2], strides = [1, 1]} : vector<8x24xf32> to vector<8x2xf32>
    %slice3A_72 = vector.extract_strided_slice %get3A_17 {offsets = [0, 0], sizes = [8, 22], strides = [1, 1]} : vector<8x24xf32> to vector<8x22xf32>
    %concatenate3A_73 = tpu.concatenate %slice3A_71, %slice3A_72 in 1 : vector<8x2xf32>, vector<8x22xf32> -> vector<8x24xf32>
    %jit3A_74 = arith.constant 0.000000e+00 : f32
    %broadcast_in_dim3A_75 = vector.broadcast %jit3A_74 : f32 to vector<8x24xf32>
    %select_n3A_76 = arith.select %ge3A_70, %concatenate3A_73, %broadcast_in_dim3A_75 : vector<8x24xi1>, vector<8x24xf32>
    %add3A_77 = arith.addf %get3A_17, %select_n3A_76 : vector<8x24xf32>
    %ge3A_78 = arith.constant 4 : i32
    %ge3A_79 = vector.broadcast %ge3A_78 : i32 to vector<8x24xi32>
    %ge3A_80 = arith.cmpi sge, %iota3A_67, %ge3A_79 : vector<8x24xi32>
    %slice3A_81 = vector.extract_strided_slice %add3A_77 {offsets = [0, 20], sizes = [8, 4], strides = [1, 1]} : vector<8x24xf32> to vector<8x4xf32>
    %slice3A_82 = vector.extract_strided_slice %add3A_77 {offsets = [0, 0], sizes = [8, 20], strides = [1, 1]} : vector<8x24xf32> to vector<8x20xf32>
    %concatenate3A_83 = tpu.concatenate %slice3A_81, %slice3A_82 in 1 : vector<8x4xf32>, vector<8x20xf32> -> vector<8x24xf32>
    %jit3A_84 = arith.constant 0.000000e+00 : f32
    %broadcast_in_dim3A_85 = vector.broadcast %jit3A_84 : f32 to vector<8x24xf32>
    %select_n3A_86 = arith.select %ge3A_80, %concatenate3A_83, %broadcast_in_dim3A_85 : vector<8x24xi1>, vector<8x24xf32>
    %add3A_87 = arith.addf %add3A_77, %select_n3A_86 : vector<8x24xf32>
    %ge3A_88 = arith.constant 8 : i32
    %ge3A_89 = vector.broadcast %ge3A_88 : i32 to vector<8x24xi32>
    %ge3A_90 = arith.cmpi sge, %iota3A_67, %ge3A_89 : vector<8x24xi32>
    %slice3A_91 = vector.extract_strided_slice %add3A_87 {offsets = [0, 16], sizes = [8, 8], strides = [1, 1]} : vector<8x24xf32> to vector<8x8xf32>
    %slice3A_92 = vector.extract_strided_slice %add3A_87 {offsets = [0, 0], sizes = [8, 16], strides = [1, 1]} : vector<8x24xf32> to vector<8x16xf32>
    %concatenate3A_93 = tpu.concatenate %slice3A_91, %slice3A_92 in 1 : vector<8x8xf32>, vector<8x16xf32> -> vector<8x24xf32>
    %jit3A_94 = arith.constant 0.000000e+00 : f32
    %broadcast_in_dim3A_95 = vector.broadcast %jit3A_94 : f32 to vector<8x24xf32>
    %select_n3A_96 = arith.select %ge3A_90, %concatenate3A_93, %broadcast_in_dim3A_95 : vector<8x24xi1>, vector<8x24xf32>
    %add3A_97 = arith.addf %add3A_87, %select_n3A_96 : vector<8x24xf32>
    %ge3A_98 = arith.constant 16 : i32
    %ge3A_99 = vector.broadcast %ge3A_98 : i32 to vector<8x24xi32>
    %ge3A_100 = arith.cmpi sge, %iota3A_67, %ge3A_99 : vector<8x24xi32>
    %slice3A_101 = vector.extract_strided_slice %add3A_97 {offsets = [0, 8], sizes = [8, 16], strides = [1, 1]} : vector<8x24xf32> to vector<8x16xf32>
    %slice3A_102 = vector.extract_strided_slice %add3A_97 {offsets = [0, 0], sizes = [8, 8], strides = [1, 1]} : vector<8x24xf32> to vector<8x8xf32>
    %concatenate3A_103 = tpu.concatenate %slice3A_101, %slice3A_102 in 1 : vector<8x16xf32>, vector<8x8xf32> -> vector<8x24xf32>
    %jit3A_104 = arith.constant 0.000000e+00 : f32
    %broadcast_in_dim3A_105 = vector.broadcast %jit3A_104 : f32 to vector<8x24xf32>
    %select_n3A_106 = arith.select %ge3A_100, %concatenate3A_103, %broadcast_in_dim3A_105 : vector<8x24xi1>, vector<8x24xf32>
    %add3A_107 = arith.addf %add3A_97, %select_n3A_106 : vector<8x24xf32>
    %broadcast_in_dim3A_108 = vector.shape_cast %add3A_107 : vector<8x24xf32> to vector<8x1x24xf32>
    %sub3A = vector.broadcast %broadcast_in_dim3A_108 : vector<8x1x24xf32> to vector<8x300x24xf32>
    %sub3A_109 = arith.subf %sub3A, %add3A_66 : vector<8x300x24xf32>
    %mul3A = arith.mulf %sub3A_109, %sub3A_109 : vector<8x300x24xf32>
    %jit3A_110 = arith.constant 2 : i32
    %eq3A_111 = arith.constant 0 : i32
    %eq3A_112 = arith.cmpi eq, %jit3A_110, %eq3A_111 : i32
    %jit3A_113 = arith.constant 1 : i32
    %select_n3A_114 = arith.select %eq3A_112, %jit3A_113, %jit3A_110 : i32
    %rem3A = vector.broadcast %select_n3A_114 : i32 to vector<8x300x24xi32>
    %rem3A_115 = arith.remsi %iota3A, %rem3A : vector<8x300x24xi32>
    %ne3A = arith.constant 0 : i32
    %ne3A_116 = vector.broadcast %ne3A : i32 to vector<8x300x24xi32>
    %ne3A_117 = arith.cmpi ne, %rem3A_115, %ne3A_116 : vector<8x300x24xi32>
    %lt3A = arith.constant 0 : i32
    %lt3A_118 = vector.broadcast %lt3A : i32 to vector<8x300x24xi32>
    %lt3A_119 = arith.cmpi slt, %rem3A_115, %lt3A_118 : vector<8x300x24xi32>
    %lt3A_120 = arith.constant 0 : i32
    %lt3A_121 = arith.cmpi slt, %select_n3A_114, %lt3A_120 : i32
    %ne3A_122 = vector.broadcast %lt3A_121 : i1 to vector<8x300x24xi1>
    %ne3A_123 = vector.broadcast %ne3A_122 : vector<8x300x24xi1> to vector<8x300x24xi1>
    %ne3A_124 = arith.xori %lt3A_119, %ne3A_123 : vector<8x300x24xi1>
    %and3A = arith.andi %ne3A_124, %ne3A_117 : vector<8x300x24xi1>
    %add3A_125 = vector.broadcast %select_n3A_114 : i32 to vector<8x300x24xi32>
    %add3A_126 = arith.addi %rem3A_115, %add3A_125 : vector<8x300x24xi32>
    %select_n3A_127 = arith.select %and3A, %add3A_126, %rem3A_115 : vector<8x300x24xi1>, vector<8x300x24xi32>
    %eq3A_128 = arith.constant 0 : i32
    %eq3A_129 = vector.broadcast %eq3A_128 : i32 to vector<8x300x24xi32>
    %eq3A_130 = arith.cmpi eq, %select_n3A_127, %eq3A_129 : vector<8x300x24xi32>
    %slice3A_131 = vector.extract_strided_slice %mul3A {offsets = [0, 0, 1], sizes = [8, 300, 23], strides = [1, 1, 1]} : vector<8x300x24xf32> to vector<8x300x23xf32>
    %slice3A_132 = vector.extract_strided_slice %mul3A {offsets = [0, 0, 0], sizes = [8, 300, 1], strides = [1, 1, 1]} : vector<8x300x24xf32> to vector<8x300x1xf32>
    %concatenate3A_133 = tpu.concatenate %slice3A_131, %slice3A_132 in 2 : vector<8x300x23xf32>, vector<8x300x1xf32> -> vector<8x300x24xf32>
    %slice3A_134 = vector.extract_strided_slice %mul3A {offsets = [0, 0, 23], sizes = [8, 300, 1], strides = [1, 1, 1]} : vector<8x300x24xf32> to vector<8x300x1xf32>
    %slice3A_135 = vector.extract_strided_slice %mul3A {offsets = [0, 0, 0], sizes = [8, 300, 23], strides = [1, 1, 1]} : vector<8x300x24xf32> to vector<8x300x23xf32>
    %concatenate3A_136 = tpu.concatenate %slice3A_134, %slice3A_135 in 2 : vector<8x300x1xf32>, vector<8x300x23xf32> -> vector<8x300x24xf32>
    %select_n3A_137 = arith.select %eq3A_130, %concatenate3A_133, %concatenate3A_136 : vector<8x300x24xi1>, vector<8x300x24xf32>
    %add3A_138 = arith.addf %mul3A, %select_n3A_137 : vector<8x300x24xf32>
    %get3A_139 = arith.constant 0 : index
    %get3A_140 = arith.constant 0 : index
    %get3A_141 = arith.constant 0 : index
    %get3A_142 = vector.load %arg2[%get3A_139, %get3A_140, %get3A_141] : memref<8x300x1xf32, #tpu.memory_space<vmem>>, vector<8x300x1xf32>
    %gt3A_143 = arith.constant 9.000000e+00 : f32
    %gt3A_144 = vector.broadcast %gt3A_143 : f32 to vector<8x300x24xf32>
    %gt3A_145 = arith.cmpf ogt, %add3A_138, %gt3A_144 : vector<8x300x24xf32>
    %gt3A_146 = arith.constant 5.000000e-01 : f32
    %gt3A_147 = vector.broadcast %gt3A_146 : f32 to vector<8x300x1xf32>
    %gt3A_148 = arith.cmpf ogt, %get3A_142, %gt3A_147 : vector<8x300x1xf32>
    %or3A = vector.broadcast %gt3A_148 : vector<8x300x1xi1> to vector<8x300x24xi1>
    %or3A_149 = arith.ori %gt3A_145, %or3A : vector<8x300x24xi1>
    %jit3A_150 = arith.constant 1.000000e+06 : f32
    %broadcast_in_dim3A_151 = vector.broadcast %jit3A_150 : f32 to vector<8x300x24xf32>
    %select_n3A_152 = arith.select %or3A_149, %broadcast_in_dim3A_151, %add3A_66 : vector<8x300x24xi1>, vector<8x300x24xf32>
    %sub3A_153 = vector.broadcast %broadcast_in_dim3A_108 : vector<8x1x24xf32> to vector<8x300x24xf32>
    %sub3A_154 = arith.subf %sub3A_153, %select_n3A_152 : vector<8x300x24xf32>
    %abs3A = math.absf %sub3A_154 : vector<8x300x24xf32>
    %reduce_min3A = arith.constant dense<0x7F800000> : vector<8x24xf32>
    %reduce_min3A_155 = vector.multi_reduction <minimumf>, %abs3A, %reduce_min3A [1] : vector<8x300x24xf32> to vector<8x24xf32>
    %jit3A_156 = arith.constant 2 : i32
    %eq3A_157 = arith.constant 0 : i32
    %eq3A_158 = arith.cmpi eq, %jit3A_156, %eq3A_157 : i32
    %jit3A_159 = arith.constant 1 : i32
    %select_n3A_160 = arith.select %eq3A_158, %jit3A_159, %jit3A_156 : i32
    %rem3A_161 = vector.broadcast %select_n3A_160 : i32 to vector<8x24xi32>
    %rem3A_162 = arith.remsi %iota3A_67, %rem3A_161 : vector<8x24xi32>
    %ne3A_163 = arith.constant 0 : i32
    %ne3A_164 = vector.broadcast %ne3A_163 : i32 to vector<8x24xi32>
    %ne3A_165 = arith.cmpi ne, %rem3A_162, %ne3A_164 : vector<8x24xi32>
    %lt3A_166 = arith.constant 0 : i32
    %lt3A_167 = vector.broadcast %lt3A_166 : i32 to vector<8x24xi32>
    %lt3A_168 = arith.cmpi slt, %rem3A_162, %lt3A_167 : vector<8x24xi32>
    %lt3A_169 = arith.constant 0 : i32
    %lt3A_170 = arith.cmpi slt, %select_n3A_160, %lt3A_169 : i32
    %ne3A_171 = vector.broadcast %lt3A_170 : i1 to vector<8x24xi1>
    %ne3A_172 = vector.broadcast %ne3A_171 : vector<8x24xi1> to vector<8x24xi1>
    %ne3A_173 = arith.xori %lt3A_168, %ne3A_172 : vector<8x24xi1>
    %and3A_174 = arith.andi %ne3A_173, %ne3A_165 : vector<8x24xi1>
    %add3A_175 = vector.broadcast %select_n3A_160 : i32 to vector<8x24xi32>
    %add3A_176 = arith.addi %rem3A_162, %add3A_175 : vector<8x24xi32>
    %select_n3A_177 = arith.select %and3A_174, %add3A_176, %rem3A_162 : vector<8x24xi1>, vector<8x24xi32>
    %eq3A_178 = arith.constant 0 : i32
    %eq3A_179 = vector.broadcast %eq3A_178 : i32 to vector<8x24xi32>
    %eq3A_180 = arith.cmpi eq, %select_n3A_177, %eq3A_179 : vector<8x24xi32>
    %jit3A_181 = arith.constant 1.500000e+00 : f32
    %jit3A_182 = arith.constant 3.000000e+00 : f32
    %broadcast_in_dim3A_183 = vector.broadcast %jit3A_181 : f32 to vector<8x24xf32>
    %broadcast_in_dim3A_184 = vector.broadcast %jit3A_182 : f32 to vector<8x24xf32>
    %select_n3A_185 = arith.select %eq3A_180, %broadcast_in_dim3A_183, %broadcast_in_dim3A_184 : vector<8x24xi1>, vector<8x24xf32>
    %gt3A_186 = arith.cmpf ogt, %reduce_min3A_155, %select_n3A_185 : vector<8x24xf32>
    %sub3A_187 = arith.subf %select_n3A_185, %reduce_min3A_155 : vector<8x24xf32>
    %jit3A_188 = arith.constant 0.000000e+00 : f32
    %broadcast_in_dim3A_189 = vector.broadcast %jit3A_188 : f32 to vector<8x24xf32>
    %select_n3A_190 = arith.select %gt3A_186, %broadcast_in_dim3A_189, %sub3A_187 : vector<8x24xi1>, vector<8x24xf32>
    %reduce_sum3A = vector.shape_cast %select_n3A_190 : vector<8x24xf32> to vector<1x8x24xf32>
    %reduce_sum3A_191 = arith.constant dense<0.000000e+00> : vector<1xf32>
    %reduce_sum3A_192 = vector.multi_reduction <add>, %reduce_sum3A, %reduce_sum3A_191 [1, 2] : vector<1x8x24xf32> to vector<1xf32>
    %reduce_sum3A_193 = vector.shape_cast %reduce_sum3A_192 : vector<1xf32> to vector<1x1x1xf32>
    %reduce_sum3A_194 = vector.extract %reduce_sum3A_193[0, 0, 0] : f32 from vector<1x1x1xf32>
    %broadcast_in_dim3A_195 = vector.broadcast %reduce_sum3A_194 : f32 to vector<1x1xf32>
    %mul3A_196 = arith.constant 4.06901054E-5 : f32
    %mul3A_197 = vector.broadcast %mul3A_196 : f32 to vector<1x1xf32>
    %mul3A_198 = arith.mulf %broadcast_in_dim3A_195, %mul3A_197 : vector<1x1xf32>
    %eq3A_199 = arith.constant 0 : i32
    %eq3A_200 = arith.cmpi eq, %arg0, %eq3A_199 : i32
    %convert_element_type3A = arith.extui %eq3A_200 : i1 to i32
    %cond3A = arith.constant 0 : i32
    %cond3A_201 = arith.cmpi ne, %convert_element_type3A, %cond3A : i32
    scf.if %cond3A_201 {
      %broadcast_in_dim3A_208 = arith.constant 0.000000e+00 : f32
      %broadcast_in_dim3A_209 = vector.broadcast %broadcast_in_dim3A_208 : f32 to vector<1x1xf32>
      %swap3A_210 = arith.constant 0 : index
      %swap3A_211 = arith.constant 0 : index
      %swap3A_212 = vector.load %arg6[%swap3A_210, %swap3A_211] : memref<1x1xf32, #tpu.memory_space<vmem>>, vector<1x1xf32>
      tpu.vector_store %arg6[%swap3A_210, %swap3A_211], %broadcast_in_dim3A_209 {strides = array<i32>} : memref<1x1xf32, #tpu.memory_space<vmem>>, vector<1x1xf32>,
    } else {
    }
    %get3A_202 = arith.constant 0 : index
    %get3A_203 = arith.constant 0 : index
    %get3A_204 = vector.load %arg6[%get3A_202, %get3A_203] : memref<1x1xf32, #tpu.memory_space<vmem>>, vector<1x1xf32>
    %add3A_205 = arith.addf %get3A_204, %mul3A_198 : vector<1x1xf32>
    %swap3A = arith.constant 0 : index
    %swap3A_206 = arith.constant 0 : index
    %swap3A_207 = vector.load %arg6[%swap3A, %swap3A_206] : memref<1x1xf32, #tpu.memory_space<vmem>>, vector<1x1xf32>
    tpu.vector_store %arg6[%swap3A, %swap3A_206], %add3A_205 {strides = array<i32>} : memref<1x1xf32, #tpu.memory_space<vmem>>, vector<1x1xf32>,
    return
  }
  func.func @transform_0(%arg0: i32) -> (i32, i32, i32) {
    %c0_i32 = arith.constant 0 : i32
    %c0_i32_0 = arith.constant 0 : i32
    %c0_i32_1 = arith.constant 0 : i32
    return %arg0, %c0_i32, %c0_i32_0 : i32, i32, i32
  }
  func.func @transform_1(%arg0: i32) -> (i32, i32, i32) {
    %c0_i32 = arith.constant 0 : i32
    %c0_i32_0 = arith.constant 0 : i32
    %c0_i32_1 = arith.constant 0 : i32
    return %arg0, %c0_i32, %c0_i32_0 : i32, i32, i32
  }
  func.func @transform_2(%arg0: i32) -> (i32, i32, i32) {
    %c0_i32 = arith.constant 0 : i32
    %c0_i32_0 = arith.constant 0 : i32
    %c0_i32_1 = arith.constant 0 : i32
    return %arg0, %c0_i32, %c0_i32_0 : i32, i32, i32
  }
  func.func @transform_3(%arg0: i32) -> (i32, i32, i32) {
    %c0_i32 = arith.constant 0 : i32
    %c0_i32_0 = arith.constant 0 : i32
    %c0_i32_1 = arith.constant 0 : i32
    return %arg0, %c0_i32, %c0_i32_0 : i32, i32, i32
  }
  func.func @transform_4(%arg0: i32) -> (i32, i32) {
    %c0_i32 = arith.constant 0 : i32
    %c0_i32_0 = arith.constant 0 : i32
    return %arg0, %c0_i32 : i32, i32
  }
  func.func @transform_5(%arg0: i32) -> (i32, i32) {
    %c0_i32 = arith.constant 0 : i32
    %c0_i32_0 = arith.constant 0 : i32
    %c0_i32_1 = arith.constant 0 : i32
    return %c0_i32, %c0_i32_0 : i32, i32
  }
}

</mosaic_0001>

<sc_bundles>
// kernel: kernel.5.cloned.1.call-start
scs
__scs_entry_jumppad:
0x0: {  	(pc) =	sbr.rel $0x88, $3  }
0x1: {  	(tag) =	ssettag $0x0;
	lr =	simm.s32 $0x1  }
0x2: {  	[smem:$0x3F9C] =	sst lr;
	_ =	strace $0xD0000000  }
0x3: {  	_ = 	snop  }
0x4: {  	_ = 	snop  }
0x5: {  	_ = 	snop  }
0x6: {  	_ = 	snop  }
0x7: {  	_ = 	snop  }
__scs_overlays_trampoline_lowered:
0x8: {  	[smem:$0x3FAB] =	sst s0  }
0x9: {  	[smem:$0x3FAC] =	sst s1  }
0xa: {  	[smem:$0x3FAD] =	sst s2  }
0xb: {  	[smem:$0x3FAE] =	sst s3  }
0xc: {  	[smem:$0x3FAF] =	sst s4  }
0xd: {  	[smem:$0x3FB0] =	sst s5  }
0xe: {  	[smem:$0x3FB1] =	sst s6  }
0xf: {  	[smem:$0x3FB2] =	sst s7  }
0x10: {  	[smem:$0x3FB3] =	sst s8  }
0x11: {  	[smem:$0x3FB4] =	sst s9;
	s0 =	simm.s32 @!p0 $0x0  }
0x12: {  	s1 =	sld [smem:$0x3F9A];
	s0 =	simm.s32 @p0 $0x1  }
0x13: {  	[smem:$0x3FB5] =	sst s0;
	s0 =	simm.s32 @!p1 $0x0  }
0x14: {  	s2 =	sld [smem:$0x3F99];
	s0 =	simm.s32 @p1 $0x1  }
0x15: {  	[smem:$0x3FB6] =	sst s0;
	s0 =	simm.s32 @!p2 $0x0  }
0x16: {  	s3 =	sld [smem:$0x3FDB];
	s0 =	simm.s32 @p2 $0x1  }
0x17: {  	s4 =	simm.s32 $0x1BF5;
	[smem:$0x3FB8] =	sst s0  }
0x18: {  	s0 =	sld [smem:$0x3F9B];
	_ =	swait.ge [sflag:s4], $0x0  }
0x19: {  	s7 =	sld [smem:$0x3F9C]  }
0x1a: {  	s8 =	sadd.s32 $0xFFFFE003, lr  }
0x1b: {  	s9 =	sadd.s32 $0xFFFFFEF7, lr;
	s5 =	simm.s32 $0xFFFFFFFF;
	p2 =	slt.u32 s8, $0xFFFFF086  }
0x1c: {  	p1 =	slt.u32 s9, $0xF7A;
	s5 =	simm.s32 @!p2 $0x0  }
0x1d: {  	s5 =	simm.s32 @p1 $0x1;
	p0 =	seq.s32 s7, s2  }
0x1e: {  	s7 =	smul.u32 @!p0 $0xF7A, s2;
	p2 =	seq.s32 @!p0 s5, $0x0  }
0x1f: {  	s9 =	smul.u32 $0xF7A, s1;
	s8 =	simm.s32 @!p0 $0x1BF5;
	p2 =	por !p2, p0  }
0x20: {  	[sflag:s8] =	ssyncset.s32 @!p0 $0xFFFFF086;
	s6 =	sadd.s32 @!p0 s3, s7;
	s7 =	simm.s32 @!p0 $0x108  }
0x21: {  	s3 =	sadd.s32 s3, s9;
	s6 =	sadd.s32 @!p0 $0x88, s6;
	s7 =	simm.s32 @p2 $0x1082  }
0x22: {  	[simem:s7], [sflag:s8] =	dma.local @!p0 [hbm:s6], $0xF7A  }
0x23: {  	s9 =	sor.u32 $0xD0000000, s2;
	s6 =	simm.s32 $0x108;
	_ =	swait.ge @!p0 [sflag:s8], $0x0  }
0x24: {  	s3 =	sadd.s32 $0x88, s3;
	s6 =	simm.s32 @!p1 $0x1082;
	[sflag:s4] =	ssyncset.s32 $0xFFFFF086  }
0x25: {  	[simem:s6], [sflag:s4] =	dma.local [hbm:s3], $0xF7A  }
0x26: {  	[smem:$0x3F9C] =	sst s1;
	(tag) =	ssettag s2;
	_ =	strace s9  }
0x27: {  	s1 =	sld [smem:$0x3FAC]  }
0x28: {  	s2 =	sld [smem:$0x3FAD]  }
0x29: {  	s4 =	sld [smem:$0x3FAF]  }
0x2a: {  	p0 =	seq.s32 s5, $0x0;
	s5 =	sld [smem:$0x3FB0]  }
0x2b: {  	s6 =	sld [smem:$0x3FB1]  }
0x2c: {  	s7 =	sld [smem:$0x3FB2]  }
0x2d: {  	s3 =	simm.s32 $0x108;
	s8 =	sld [smem:$0x3FB3]  }
0x2e: {  	s3 =	simm.s32 @!p0 $0x1082;
	s9 =	sld [smem:$0x3FB4]  }
0x2f: {  	lr =	sadd.s32 s0, s3;
	s0 =	sld [smem:$0x3FAB]  }
0x30: {  	s3 =	sld [smem:$0x3FAE]  }
0x31: {  	[smem:$0x3FB7] =	sst s10  }
0x32: {  	s10 =	sld [smem:$0x3FB5];
	_ =	sdelay $0x3  }
0x33: {  	p0 =	seq.s32 s10, $0x1;
	s10 =	sld [smem:$0x3FB7];
	_ =	sdelay $0x3  }
0x34: {  	[smem:$0x3FB7] =	sst s10  }
0x35: {  	s10 =	sld [smem:$0x3FB6];
	_ =	sdelay $0x3  }
0x36: {  	p1 =	seq.s32 s10, $0x1;
	s10 =	sld [smem:$0x3FB7];
	_ =	sdelay $0x3  }
0x37: {  	[smem:$0x3FB7] =	sst s10  }
0x38: {  	s10 =	sld [smem:$0x3FB8]  }
0x39: {  	_ = 	snop;
	(pc) =	sbr.ind lr, $3  }
0x3a: {  	_ = 	snop  }
0x3b: {  	_ = 	snop  }
0x3c: {  	p2 =	seq.s32 s10, $0x1;
	s10 =	sld [smem:$0x3FB7]  }
0x3d: {  	_ =	shalt  }
0x3e: {  	_ =	shalt  }
0x3f: {  	_ =	shalt  }
0x40: {  	_ =	shalt  }
0x41: {  	_ =	shalt  }
0x42: {  	_ =	shalt  }
0x43: {  	_ =	shalt  }
0x44: {  	_ =	shalt  }
0x45: {  	_ =	shalt  }
0x46: {  	_ =	shalt  }
0x47: {  	_ =	shalt  }
0x48: {  	_ =	shalt  }
0x49: {  	_ =	shalt  }
0x4a: {  	_ =	shalt  }
0x4b: {  	_ =	shalt  }
0x4c: {  	_ =	shalt  }
0x4d: {  	_ =	shalt  }
0x4e: {  	_ =	shalt  }
0x4f: {  	_ =	shalt  }
0x50: {  	_ =	shalt  }
0x51: {  	_ =	shalt  }
0x52: {  	_ =	shalt  }
0x53: {  	_ =	shalt  }
0x54: {  	_ =	shalt  }
0x55: {  	_ =	shalt  }
0x56: {  	_ =	shalt  }
0x57: {  	_ =	shalt  }
0x58: {  	_ =	shalt  }
0x59: {  	_ =	shalt  }
0x5a: {  	_ =	shalt  }
0x5b: {  	_ =	shalt  }
0x5c: {  	_ =	shalt  }
0x5d: {  	_ =	shalt  }
0x5e: {  	_ =	shalt  }
0x5f: {  	_ =	shalt  }
0x60: {  	_ =	shalt  }
0x61: {  	_ =	shalt  }
0x62: {  	_ =	shalt  }
0x63: {  	_ =	shalt  }
0x64: {  	_ =	shalt  }
0x65: {  	_ =	shalt  }
0x66: {  	_ =	shalt  }
0x67: {  	_ =	shalt  }
0x68: {  	_ =	shalt  }
0x69: {  	_ =	shalt  }
0x6a: {  	_ =	shalt  }
0x6b: {  	_ =	shalt  }
0x6c: {  	_ =	shalt  }
0x6d: {  	_ =	shalt  }
0x6e: {  	_ =	shalt  }
0x6f: {  	_ =	shalt  }
0x70: {  	_ =	shalt  }
0x71: {  	_ =	shalt  }
0x72: {  	_ =	shalt  }
0x73: {  	_ =	shalt  }
0x74: {  	_ =	shalt  }
0x75: {  	_ =	shalt  }
0x76: {  	_ =	shalt  }
0x77: {  	_ =	shalt  }
0x78: {  	_ =	shalt  }
0x79: {  	_ =	shalt  }
0x7a: {  	_ =	shalt  }
0x7b: {  	_ =	shalt  }
0x7c: {  	_ =	shalt  }
0x7d: {  	_ =	shalt  }
0x7e: {  	_ =	shalt  }
0x7f: {  	_ =	shalt  }
0x80: {  	_ =	shalt  }
0x81: {  	_ =	shalt  }
0x82: {  	_ =	shalt  }
0x83: {  	_ =	shalt  }
0x84: {  	_ =	shalt  }
0x85: {  	_ =	shalt  }
0x86: {  	_ =	shalt  }
0x87: {  	_ =	shalt  }
.Lfunc_end0:
.L_simem_size_0:
called_computation_lowered:
.L_overlay_start_0:
0x88: {  	s2 =	sld [smem:$0x3FD9]  }
0x89: {  	s3 =	sld [smem:$0x3FFE];
	_ =	sdelay $0x1  }
0x8a: {  	s1 =	srdreg.scid  }
0x8b: {  	s0 =	sand.u32 $0x1, s1  }
0x8c: {  	s16 =	sshll.u32 s0, $0xA;
	s2 =	sadd.s32 s3, s2  }
0x8d: {  	s2 =	sadd.s32 s2, s16  }
0x8e: {  	[smem:$0x3FC3] =	sst s2  }
0x8f: {  	_ = 	snop  }
0x90: {  	(tm) =	ssettm $0x1  }
0x91: {  	s17 =	sld [smem:$0x3FFB];
	_ =	sdelay $0x3  }
0x92: {  	_ =	strace s17  }
0x93: {  	s2 =	sld [smem:$0x3FFC];
	_ =	sdelay $0x3  }
0x94: {  	_ =	strace s2  }
0x95: {  	s2 =	sld [smem:$0x3FFD];
	_ =	sdelay $0x3  }
0x96: {  	_ =	strace s2  }
0x97: {  	_ =	strace $0x8FFFFFFF  }
0x98: {  	s18 =	sld [smem:$0x3FDB];
	_ =	sdelay $0x1  }
0x99: {  	s19 =	simm.s32 $_scs_section_size  }
0x9a: {  	s4 =	simm.s32 $_size__tile_overlayer_lowered;
	s5 =	simm.s32 $_tile_overlayer_lowered  }
0x9b: {  	s22 =	simm.s32 $0x1BFF;
	s21 =	sshll.u32 s5, $0x1;
	s2 =	sadd.s32 s19, s18  }
0x9c: {  	s6 =	simm.s32 $0x0;
	s20 =	sshll.u32 s4, $0x1;
	s4 =	sadd.s32 s21, s2  }
0x9d: {  	[timem:s6], [sflag:s22] =	dma.local [hbm:s4], s20  }
0x9e: {  	_ =	swait.ge [sflag:s22], s20  }
0x9f: {  	s3 =	ssub.s32 $0x0, s20;
	[sflag:s22] =	ssyncset.done $0x0  }
0xa0: {  	[sflag:s22] =	ssyncadd.s32 s3;
	_ =	sdelay $0x1  }
0xa1: {  	s23 =	simm.s32 $0x1B8B  }
0xa2: {  	_ =	swait.ge [sflag:s23], $0x1  }
0xa3: {  	[sflag:s23] =	ssyncset.done $0x0  }
0xa4: {  	s25 =	simm.s32 $0x1B8E;
	s24 =	sld [smem:$0x3FFE];
	[sflag:s23] =	ssyncadd.s32 $0xFFFFFFFF  }
0xa5: {  	s26 =	simm.s32 $execute0_lowered;
	[smem:$0x3FD2] =	sst s25  }
0xa6: {  	s4 =	sshll.u32 s26, $0x1;
	_ =	strace $0x80000046;
	[dreg:$0x1] =	wrdreg $0xFFFFFFFF  }
0xa7: {  	s28 =	simm.s32 $_size_execute0_lowered;
	s2 =	sadd.s32 s2, s4;
	[dreg:$0x0] =	wrdreg $0x0  }
0xa8: {  	s4 =	sshll.u32 s28, $0x1;
	[dreg:$0x2] =	wrdreg s2  }
0xa9: {  	[dreg:$0x3] =	wrdreg s4  }
0xaa: {  	[dreg:$0x4] =	wrdreg $0xC0  }
0xab: {  	_ =	task [dreg:s6], $0x5FFFF  }
0xac: {  	[dreg:$0x1] =	wrdreg $0xFFFFFFFF  }
0xad: {  	[dreg:$0x0] =	wrdreg $0x60  }
0xae: {  	[dreg:$0x2] =	wrdreg s24  }
0xaf: {  	[dreg:$0x3] =	wrdreg $0x9  }
0xb0: {  	_ =	task.clear_ibuf [dreg:s6], $0x4FFFF;
	_ =	strace $0x90000046  }
0xb1: {  	s29 =	simm.s32 $0x9;
	_ =	strace $0x8000004F  }
0xb2: {  	_ =	swait.ge [sflag:s29], $0x1  }
0xb3: {  	[sflag:s29] =	ssyncadd.s32 $0xFFFFFFFF  }
0xb4: {  	_ =	strace $0x9000004F  }
0xb5: {  	_ =	sfence  }
0xb6: {  	s30 =	sld [smem:$0x0];
	_ =	sdelay $0x2  }
0xb7: {  	s31 =	sshll.u32 s1, $0xD;
	s1 =	sshrl.u32 s1, $0x2  }
0xb8: {  	s3 =	sand.u32 $0x4000, s31;
	s1 =	sadd.s32 s1, s30  }
0xb9: {  	s0 =	sor.u32 s3, s0;
	s1 =	sshll.u32 s1, $0x11  }
0xba: {  	s0 =	sor.u32 s1, s0  }
0xbb: {  	s0 =	sadd.s32 $0x8F2B, s0  }
0xbc: {  	[sflag:s0] =	ssyncadd.remote.s32 $0x1  }
0xbd: {  	_ =	sfence.sel $0xFFFF  }
0xbe: {  	[dreg:$0x0] =	wrdreg $0xFFFFFFFF;
	(pc) =	sbr.abs _section_cstart, $3  }
0xbf: {  	[dreg:$0x1] =	wrdreg $0xFFFFFFFF  }
0xc0: {  	_ =	task.clear_ibuf [dreg:s6], $0x2FFFF;
	_ =	strace $0x9FFFFFFF  }
0xc1: {  	(tm) =	ssettm $0x7FFFFFFF  }
tec
execute0_lowered:
.L_overlay_start_1:
0x0: {  	(tag) =	ssettag $0x1  }
0x1: {  	s3 =	rddreg [dreg:$0x0]  }
0x2: {  	s0 =	rddreg [dreg:$0x1];
	s1 =	simm.s32 $0x0  }
0x3: {  	s2 =	srdreg.scid;
	s8 =	simm.s32 $0x80;
	s9 =	simm.s32 $0x0  }
0x4: {  	[smem:$0x7FF] =	sst s1;
	s4 =	sand.u32 $0x1, s2;
	s5 =	sadd.s32 $0x1C200A00, s3  }
0x5: {  	s2 =	stileid.u32;
	s30 =	sadd.s32 $0x13600, s3;
	s3 =	sadd.s32 $0xA00, s3  }
0x6: {  	_ =	strace $0x80000047;
	s6 =	sshll.u32 s4, $0x4;
	[dreg:$0x2] =	wrdreg s5  }
0x7: {  	s4 =	ssub.s32 $0x2, s4;
	[dreg:$0x4] =	wrdreg s30;
	s29 =	sor.u32 s2, s6  }
0x8: {  	[dreg:$0x3] =	wrdreg s8;
	s31 =	sshrl.u32 s4, $0x1;
	s7 =	smul.u32 $0x960, s29  }
0x9: {  	s8 =	simm.s32 $0x5;
	s6 =	ssub.s32 s4, s31;
	s4 =	smul.u32 $0x96, s29  }
0xa: {  	s6 =	smax.u32 s6, $0x1;
	s5 =	sadd.s32 s3, s7;
	s7 =	simm.s32 $0x1  }
.LBB2_1:
0xb: {  	_ =	strace $0x80000048;
	s10 =	simm.s32 $0x1;
	p0 =	por $0x0, $0x0  }
0xc: {  	[tilespmem:s1], [sflag:$0x1] =	stream.linear.gather [hbm4b:s5+s1], $0x80, $0x200038;
	[tilespmem:$0x1100] =	vst v63  }
0xd: {  	s10 =	simm.s32 @p0 $0x0  }
0xe: {  	p4 =	por $0x1, $0x1;
	s19 =	sand.u32 $0x1, s1;
	p1 =	sne.s32 s10, $0x0  }
0xf: {  	p2 =	por $0x1, $0x1;
	s17 =	simm.s32 $0x94;
	p0 =	por !p4, !p1  }
0x10: {  	s15 =	simm.s32 $0x0;
	p5 =	por $0x0, $0x0;
	p0 =	por !p0, !p0  }
0x11: {  	s22 =	sadd.s32 $0x0, s4;
	s30 =	sadd.s32 $0x1, s19;
	s11 =	sadd.s32 @p0 s4, s10  }
0x12: {  	_ =	strace $0x90000048;
	s12 =	sand.u32 @p0 $0x1, s7;
	s11 =	sshll.u32 @p0 s11, $0x4  }
0x13: {  	_ =	strace @p0 $0x80000049;
	s14 =	simm.s32 @p0 $0x0;
	s11 =	sand.u32 @p0 $0x1FFFFFF0, s11  }
0x14: {  	s13 =	sshll.u32 @p0 s12, $0x7;
	s12 =	sadd.s32 @p0 $0x1, s12;
	s11 =	sadd.s32 @p0 s3, s11  }
0x15: {  	[tilespmem:s13], [sflag:s12] =	stream.linear.gather @p0 [hbm4b:s11+s14], $0x80, $0x200038;
	[tilespmem:$0x1100] =	vst v63  }
0x16: {  	p3 =	por p2, p2;
	s20 =	sshll.u32 s19, $0xB;
	_ =	strace @p0 $0x90000049  }
0x17: {  	s15 =	sand.u32 $0x80, s15;
	p2 =	por p5, p5;
	_ =	strace $0x8000004A  }
0x18: {  	s16 =	sadd.s32 $0x1, s10;
	s21 =	sor.u32 $0x100, s20;
	_ =	swait.ge [sflag:s30], $0x80  }
0x19: {  	s20 =	simm.s32 $0x1;
	p6 =	por p1, p1;
	[sflag:s30] =	ssyncset.done $0x0  }
0x1a: {  	p1 =	por p3, p3;
	p4 =	por $0x1, $0x1;
	[sflag:s30] =	ssyncadd.s32 $0xFFFFFF80  }
0x1b: {  	s11 =	simm.s32 $0x95;
	s14 =	sand.u32 @!p3 $0x1, s1;
	_ =	strace $0x9000004A  }
0x1c: {  	s12 =	simm.s32 $0x1;
	p3 =	seq.s32 s16, $0x96;
	_ =	strace $0x8000004B  }
0x1d: {  	s12 =	simm.s32 @!p0 $0x0;
	s16 =	simm.s32 @p3 $0x0;
	s18 =	rddreg [dreg:$0x3]  }
0x1e: {  	p0 =	por $0x0, $0x0;
	s13 =	sadd.s32 $0x1, s12;
	s31 =	rddreg [dreg:$0x2]  }
0x1f: {  	[tilespmem:s21], [sflag:$0x5] =	stream.indirect.gather [hbm4b:s31+s18], $0x10, s15, s18, $0x2000b8;
	[tilespmem:$0x1100] =	vst v63  }
0x20: {  	p3 =	sne.s32 s10, s16;
	s20 =	simm.s32 @!p0 $0x0;
	_ =	swait.ge [sflag:s8], $0x800  }
0x21: {  	p5 =	por !p4, !p3;
	p4 =	por $0x0, $0x0;
	[sflag:s8] =	ssyncset.done $0x0  }
0x22: {  	s12 =	simm.s32 $0x0;
	p6 =	por p4, p6;
	[sflag:s8] =	ssyncadd.s32 $0xFFFFF800  }
0x23: {  	s15 =	simm.s32 $0x0;
	s18 =	simm.s32 $0x0;
	_ =	strace $0x9000004B  }
.LBB2_2:
0x24: {  	_ =	strace @p6 $0x8000004C;
	s30 =	smov.u32 s11  }
0x25: {  	s11 =	smov.u32 s17;
	s17 =	sadd.s32 $0xFFFFFFFF, s17;
	p0 =	por p3, p3  }
0x26: {  	s26 =	sshll.u32 @p6 s22, $0x8;
	s19 =	sadd.s32 @p6 $0x3, s19;
	s23 =	simm.s32 @!p0 $0x0  }
0x27: {  	s24 =	rddreg [dreg:$0x4];
	s26 =	sand.u32 @p6 $0x1FFFFF00, s26;
	s23 =	simm.s32 @p0 $0x1  }
0x28: {  	s24 =	sadd.s32 @p6 s24, s26;
	s26 =	simm.s32 @p6 $0x0;
	p0 =	sne.s32 s17, $0x0  }
0x29: {  	[hbm4b:s24+s26] =	stream.linear.scatter @p6 [tilespmem:s21], [sflag:s19], $0x800, $0x200038;
	[tilespmem:$0x1100] =	vst v63  }
0x2a: {  	s12 =	sadd.s32 s20, s12;
	s19 =	sadd.s32 @!p1 $0x3, s14;
	s14 =	simm.s32 @!p0 $0x0  }
0x2b: {  	s25 =	simm.s32 $0x1;
	[smem:$0x7FC] =	sst s23;
	s14 =	simm.s32 @p0 $0x1  }
0x2c: {  	s25 =	simm.s32 @!p6 $0x0;
	_ =	strace @p6 $0x9000004C;
	[smem:$0x7FD] =	sst s14  }
0x2d: {  	p5 =	por !p5, !p5;
	s18 =	sadd.s32 s25, s18;
	_ =	strace @!p1 $0x8000004D  }
0x2e: {  	s23 =	sand.u32 @!p2 $0x1, s12;
	s21 =	sand.u32 @p5 $0x1, s13;
	_ =	swait.ge @!p1 [sflag:s19], $0x800  }
0x2f: {  	s14 =	smov.u32 s23;
	s23 =	sadd.s32 @p5 s4, s16;
	[sflag:s19] =	ssyncset.done @!p1 $0x0  }
0x30: {  	s24 =	sshll.u32 @p5 s21, $0x7;
	s23 =	sshll.u32 @p5 s23, $0x4;
	[sflag:s19] =	ssyncadd.s32 @!p1 $0xFFFFF800  }
0x31: {  	s19 =	sadd.s32 @p5 $0x1, s21;
	s21 =	sand.u32 @p5 $0x1FFFFFF0, s23;
	_ =	strace @!p1 $0x9000004D  }
0x32: {  	s23 =	simm.s32 @p5 $0x0;
	s21 =	sadd.s32 @p5 s3, s21;
	_ =	strace @p5 $0x80000049  }
0x33: {  	[tilespmem:s24], [sflag:s19] =	stream.linear.gather @p5 [hbm4b:s21+s23], $0x80, $0x200038;
	[tilespmem:$0x1100] =	vst v63  }
0x34: {  	s15 =	sadd.s32 s25, s15;
	s25 =	sand.u32 $0x1, s18;
	_ =	strace @p5 $0x90000049  }
0x35: {  	s23 =	sadd.s32 $0x1, s25;
	_ =	strace $0x8000004A  }
0x36: {  	_ =	swait.ge [sflag:s23], $0x80  }
0x37: {  	[sflag:s23] =	ssyncset.done $0x0  }
0x38: {  	s19 =	simm.s32 $0x1;
	[sflag:s23] =	ssyncadd.s32 $0xFFFFFF80  }
0x39: {  	s19 =	simm.s32 @!p5 $0x0;
	_ =	strace $0x9000004A  }
0x3a: {  	s13 =	sadd.s32 s19, s13;
	s19 =	sand.u32 $0x1, s15;
	_ =	strace $0x8000004B  }
0x3b: {  	s31 =	sshll.u32 s18, $0x7;
	s24 =	sshll.u32 s19, $0xB;
	s25 =	rddreg [dreg:$0x3]  }
0x3c: {  	s29 =	sand.u32 $0x80, s31;
	s21 =	sor.u32 $0x100, s24;
	s26 =	rddreg [dreg:$0x2]  }
0x3d: {  	[tilespmem:s21], [sflag:$0x5] =	stream.indirect.gather [hbm4b:s26+s25], $0x10, s29, s25, $0x2000b8;
	[tilespmem:$0x1100] =	vst v63  }
0x3e: {  	_ =	swait.ge [sflag:s8], $0x800  }
0x3f: {  	[sflag:s8] =	ssyncset.done $0x0  }
0x40: {  	s28 =	sadd.s32 $0x1, s16;
	[sflag:s8] =	ssyncadd.s32 $0xFFFFF800  }
0x41: {  	s22 =	sadd.s32 s4, s10;
	s10 =	smov.u32 s16;
	_ =	strace $0x9000004B  }
0x42: {  	p3 =	seq.s32 s28, $0x96;
	s16 =	smov.u32 s28;
	s31 =	sld [smem:$0x7FD]  }
0x43: {  	s20 =	simm.s32 $0x1;
	s16 =	simm.s32 @p3 $0x0  }
0x44: {  	p6 =	sne.s32 s11, $0x1;
	p0 =	sne.s32 s30, $0x96;
	p3 =	sne.s32 s10, s16  }
0x45: {  	s20 =	simm.s32 @!p0 $0x0;
	p5 =	por !p6, !p3;
	p0 =	seq.s32 s31, $0x1  }
.Ltmp0:
0x46: {  	p6 =	seq.s32 s30, $0x1;
	s30 =	sld [smem:$0x7FC];
	(pc) =	sbr.rel @p0 .LBB2_2-.Ltmp0, $4  }
0x47: {  	_ = 	snop  }
0x48: {  	p4 =	seq.s32 s11, $0x96  }
0x49: {  	p1 =	por p2, p2;
	p2 =	por p4, p4;
	p4 =	seq.s32 s30, $0x1  }
0x4a: {  	p6 =	por p6, p4  }
0x4b: {  	_ =	strace @p6 $0x8000004C;
	s22 =	sshll.u32 @p6 s22, $0x8  }
0x4c: {  	s17 =	rddreg [dreg:$0x4];
	s22 =	sand.u32 @p6 $0x1FFFFF00, s22  }
0x4d: {  	s19 =	sadd.s32 @p6 $0x3, s19;
	s17 =	sadd.s32 @p6 s17, s22;
	s22 =	simm.s32 @p6 $0x0  }
0x4e: {  	[hbm4b:s17+s22] =	stream.linear.scatter @p6 [tilespmem:s21], [sflag:s19], $0x800, $0x200038;
	[tilespmem:$0x1100] =	vst v63  }
0x4f: {  	p0 =	por !p5, !p5;
	_ =	strace @p6 $0x9000004C  }
0x50: {  	s14 =	sadd.s32 @!p1 $0x3, s14;
	s16 =	sadd.s32 @p0 s4, s16;
	_ =	strace @!p1 $0x8000004D  }
0x51: {  	s13 =	sand.u32 @p0 $0x1, s13;
	s16 =	sshll.u32 @p0 s16, $0x4;
	_ =	swait.ge @!p1 [sflag:s14], $0x800  }
0x52: {  	s17 =	simm.s32 $0x1;
	s19 =	sshll.u32 @p0 s13, $0x7;
	[sflag:s14] =	ssyncset.done @!p1 $0x0  }
0x53: {  	s13 =	sadd.s32 @p0 $0x1, s13;
	s17 =	simm.s32 @!p6 $0x0;
	[sflag:s14] =	ssyncadd.s32 @!p1 $0xFFFFF800  }
0x54: {  	s18 =	sadd.s32 s17, s18;
	s14 =	sand.u32 @p0 $0x1FFFFFF0, s16;
	_ =	strace @!p1 $0x9000004D  }
0x55: {  	s16 =	simm.s32 @p0 $0x0;
	s14 =	sadd.s32 @p0 s3, s14;
	_ =	strace @p0 $0x80000049  }
0x56: {  	[tilespmem:s19], [sflag:s13] =	stream.linear.gather @p0 [hbm4b:s14+s16], $0x80, $0x200038;
	[tilespmem:$0x1100] =	vst v63  }
0x57: {  	s24 =	sand.u32 $0x1, s18;
	_ =	strace @p0 $0x90000049  }
0x58: {  	s13 =	sadd.s32 $0x1, s24;
	_ =	strace $0x8000004A  }
0x59: {  	_ =	swait.ge [sflag:s13], $0x80  }
0x5a: {  	[sflag:s13] =	ssyncset.done $0x0  }
0x5b: {  	[sflag:s13] =	ssyncadd.s32 $0xFFFFFF80  }
0x5c: {  	s25 =	sadd.s32 s17, s15;
	_ =	strace $0x9000004A  }
0x5d: {  	s13 =	sand.u32 $0x1, s25;
	_ =	strace $0x8000004B  }
0x5e: {  	s29 =	sshll.u32 s18, $0x7;
	s30 =	sshll.u32 s13, $0xB;
	s26 =	rddreg [dreg:$0x3]  }
0x5f: {  	s16 =	sand.u32 $0x80, s29;
	s17 =	sor.u32 $0x100, s30;
	s28 =	rddreg [dreg:$0x2]  }
0x60: {  	[tilespmem:s17], [sflag:$0x5] =	stream.indirect.gather [hbm4b:s28+s26], $0x10, s16, s26, $0x2000b8;
	[tilespmem:$0x1100] =	vst v63  }
0x61: {  	_ =	swait.ge [sflag:s8], $0x800  }
0x62: {  	[sflag:s8] =	ssyncset.done $0x0  }
0x63: {  	p5 =	por p3, p3;
	p6 =	seq.s32 s11, $0x1;
	[sflag:s8] =	ssyncadd.s32 $0xFFFFF800  }
0x64: {  	s10 =	sadd.s32 s4, s10;
	p0 =	por p6, p5;
	_ =	strace $0x9000004B  }
0x65: {  	s10 =	sshll.u32 @p0 s10, $0x8;
	_ =	strace @p0 $0x8000004C  }
0x66: {  	s12 =	sadd.s32 s20, s12;
	s10 =	sand.u32 @p0 $0x1FFFFF00, s10;
	s14 =	rddreg [dreg:$0x4]  }
0x67: {  	s13 =	sadd.s32 @p0 $0x3, s13;
	s10 =	sadd.s32 @p0 s14, s10;
	s14 =	simm.s32 @p0 $0x0  }
0x68: {  	[hbm4b:s10+s14] =	stream.linear.scatter @p0 [tilespmem:s17], [sflag:s13], $0x800, $0x200038;
	[tilespmem:$0x1100] =	vst v63  }
0x69: {  	p1 =	por p2, p2;
	s10 =	sand.u32 @!p2 $0x1, s12;
	_ =	strace @p0 $0x9000004C  }
0x6a: {  	s10 =	sadd.s32 @!p1 $0x3, s10;
	_ =	strace @!p1 $0x8000004D  }
0x6b: {  	p0 =	sne.s32 s11, $0x96;
	s11 =	simm.s32 $0x1;
	_ =	swait.ge @!p1 [sflag:s10], $0x800  }
0x6c: {  	s11 =	simm.s32 @!p0 $0x0;
	[sflag:s10] =	ssyncset.done @!p1 $0x0  }
0x6d: {  	s9 =	sadd.s32 $0x1, s9;
	s11 =	sadd.s32 s11, s12;
	[sflag:s10] =	ssyncadd.s32 @!p1 $0xFFFFF800  }
0x6e: {  	p0 =	sne.s32 s9, s6;
	s31 =	sand.u32 $0x1, s11;
	_ =	strace @!p1 $0x9000004D  }
.Ltmp1:
0x6f: {  	s10 =	sadd.s32 $0x3, s31;
	_ =	strace $0x8000004E;
	(pc) =	sbr.rel @p0 .LBB2_1-.Ltmp1, $4  }
0x70: {  	_ =	swait.ge [sflag:s10], $0x800  }
0x71: {  	[sflag:s10] =	ssyncset.done $0x0  }
0x72: {  	[sflag:s10] =	ssyncadd.s32 $0xFFFFF800  }
0x73: {  	_ =	strace $0x9000004E  }
0x74: {  	_ =	sfence.sel $0x180000  }
0x75: {  	[bflag:$0x0] =	sbarrier.arrive $0xFFFF  }
0x76: {  	p0 =	sne.s32 s2, $0x0;
	_ =	strace $0x90000047  }
0x77: {  	s0 =	sadd.s32 @!p0 $0x100000, s0;
	[bflag:$0x2] =	sbarrier.arrive $0xFFFF  }
0x78: {  	[sflag:s0] =	ssyncadd.tile.s32 @!p0 $0x1;
	_ =	shalt  }
.Lfunc_end2:
_tile_overlayer_lowered:
.L_overlay_start_2:
0x79: {  	(tag) =	ssettag $0x2  }
0x7a: {  	s0 =	rddreg [dreg:$0x0];
	s2 =	stileid.u32  }
0x7b: {  	s1 =	rddreg [dreg:$0x1];
	p0 =	sne.s32 s2, $0x0  }
0x7c: {  	s3 =	rddreg [dreg:$0x2];
	[bflag:$0x3] =	sbarrier.arrive $0xFFFF;
	s2 =	simm.s32 @!p0 $0x1C01  }
0x7d: {  	[timem:s3], [sflag:s2] =	dma.local @!p0 [hbm:s0], s1  }
0x7e: {  	s0 =	simm.s32 @!p0 $0x1  }
0x7f: {  	_ =	swait.ge @!p0 [sflag:s0], s1  }
0x80: {  	s1 =	ssub.s32 @!p0 $0x0, s1;
	[sflag:s0] =	ssyncset.done @!p0 $0x0  }
0x81: {  	[sflag:s0] =	ssyncadd.s32 @!p0 s1  }
0x82: {  	[bflag:$0x3] =	sbarrier.arrive $0xFFFF  }
0x83: {  	_ =	shalt  }

</sc_bundles>
